<compile_context>
chip_gen: v7x
topology: tpu7x:2x2x1
jax: 0.10.2.dev20260603
libtpu: 0.0.44.dev20260713+nightly
codegen_flags: <defaults>
</compile_context>

<pallas_src>
import jax
import jax.numpy as jnp
from jax.experimental import pallas as pl
from jax.experimental.pallas import tpu as pltpu
from jax.experimental.pallas import tpu_sc as plsc

_GATHER_WINDOW = 128
_ROW_SPLIT = 2
_BATCH_CHUNKS = 1


def _sc_gather_rows(table, idx_flat, width):
    n = idx_flat.shape[0]
    indices = idx_flat.reshape(1, n)
    mesh = plsc.VectorSubcoreMesh(core_axis_name="core", subcore_axis_name="subcore")

    @pl.kernel(
        out_type=jax.ShapeDtypeStruct((n, width), table.dtype),
        mesh=mesh,
    )
    def gather_kernel(x_hbm, i_hbm, o_hbm):
        def body(i_vmem, o_vmem):
            pltpu.sync_copy(x_hbm.at[i_vmem.at[0]], o_vmem)

        pltpu.emit_pipeline(
            body,
            grid=(n // _GATHER_WINDOW,),
            in_specs=[pl.BlockSpec((1, _GATHER_WINDOW), lambda i: (0, i))],
            out_specs=[pl.BlockSpec((_GATHER_WINDOW, width), lambda i: (i, 0))],
            core_axis_name=("core", "subcore"),
            dimension_semantics=(pltpu.PARALLEL,),
        )(i_hbm, o_hbm)

    return gather_kernel(table, indices)


def _rhs_t_dot(a, w):
    return jax.lax.dot_general(a, w, (((1,), (1,)), ((), ())),
                               preferred_element_type=jnp.float32)


def _lstm_decode(features, embeds_rest, Wih, Whh, b, Wout, b_out, h0, c0):
    Lm1, B, E = embeds_rest.shape
    L = Lm1 + 1
    H = Whh.shape[1]
    V = Wout.shape[0]

    def step_kernel(x_ref, feat_ref, wih_ref, whh_ref, b_ref, wout_ref,
                    bout_ref, h0_ref, c0_ref, out_ref, h_ref, c_ref):
        t = pl.program_id(0)

        @pl.when(t == 0)
        def _init():
            h_ref[...] = h0_ref[...]
            c_ref[...] = c0_ref[...]

        R = B // _BATCH_CHUNKS
        for r in range(_BATCH_CHUNKS):
            rows = pl.ds(r * R, R)
            h_prev = h_ref[rows, :]

            out_ref[0, rows, :] = (
                _rhs_t_dot(h_prev, wout_ref[...]) + bout_ref[...]
            )

            x = jnp.where(t == 0, feat_ref[rows, :], x_ref[0, rows, :])
            gates = (
                _rhs_t_dot(x, wih_ref[...])
                + _rhs_t_dot(h_prev, whh_ref[...])
                + b_ref[...]
            )
            i = jax.nn.sigmoid(gates[:, 0 * H:1 * H])
            f = jax.nn.sigmoid(gates[:, 1 * H:2 * H])
            g = jnp.tanh(gates[:, 2 * H:3 * H])
            o = jax.nn.sigmoid(gates[:, 3 * H:4 * H])
            c = f * c_ref[rows, :] + i * g
            h = o * jnp.tanh(c)
            c_ref[rows, :] = c
            h_ref[rows, :] = h

    return pl.pallas_call(
        step_kernel,
        grid=(L + 1,),
        in_specs=[
            pl.BlockSpec((1, B, E),
                         lambda t: (jnp.clip(t - 1, 0, Lm1 - 1), 0, 0)),
            pl.BlockSpec((B, E), lambda t: (0, 0)),
            pl.BlockSpec((4 * H, E), lambda t: (0, 0)),
            pl.BlockSpec((4 * H, H), lambda t: (0, 0)),
            pl.BlockSpec((1, 4 * H), lambda t: (0, 0)),
            pl.BlockSpec((V, H), lambda t: (0, 0)),
            pl.BlockSpec((1, V), lambda t: (0, 0)),
            pl.BlockSpec((B, H), lambda t: (0, 0)),
            pl.BlockSpec((B, H), lambda t: (0, 0)),
        ],
        out_specs=pl.BlockSpec((1, B, V),
                               lambda t: (jnp.maximum(t, 1) - 1, 0, 0)),
        out_shape=jax.ShapeDtypeStruct((L, B, V), jnp.float32),
        scratch_shapes=[
            pltpu.VMEM((B, H), jnp.float32),
            pltpu.VMEM((B, H), jnp.float32),
        ],
        compiler_params=pltpu.CompilerParams(
            dimension_semantics=("arbitrary",),
        ),
    )(embeds_rest, features, Wih, Whh, b, Wout, b_out, h0, c0)


def _decode_batch(features, captions, emb, W_ih, W_hh, b, W_out, b_out2,
                  h0_2d, c0_2d):
    B, L = captions.shape
    E = emb.shape[1]

    idx = jnp.transpose(captions[:, :-1]).reshape(-1)
    s = _ROW_SPLIT
    idx_split = (idx[:, None] * s
                 + jnp.arange(s, dtype=idx.dtype)[None, :]).reshape(-1)
    table = emb.reshape(emb.shape[0] * s, E // s)
    gathered = _sc_gather_rows(table, idx_split, E // s)
    embeds_rest = gathered.reshape(L - 1, B, E)

    logits_tm = _lstm_decode(features, embeds_rest, W_ih, W_hh, b,
                             W_out, b_out2, h0_2d, c0_2d)
    return jnp.transpose(logits_tm, (1, 0, 2))


def kernel(features, captions, emb, W_ih, W_hh, b_ih, b_hh, W_out, b_out, h0, c0):
    b = (b_ih + b_hh).reshape(1, -1)
    b_out2 = b_out.reshape(1, -1)
    args = (features, captions, emb, W_ih, W_hh, b, W_out, b_out2,
            h0[0], c0[0])

    return _decode_batch(*args)

# --- scband reference (transcript-rebuilt; emitter-appended) ---
"""Pipeline reference for scband-decoder-rnn-86595130622617 (READ-ONLY COPY).

The authoritative reference and input builder live on the scoring server;
editing this copy changes nothing except your own understanding.
"""

import jax, jax.numpy as jnp
import numpy as np

B, L, E, H, V = 256, 50, 512, 1024, 1000


def setup_inputs(seed: int = 0) -> dict:
    key = jax.random.key(seed)
    ks = jax.random.split(key, 12)
    features = jax.random.normal(ks[0], (B, E), dtype=jnp.float32)
    captions = jax.random.randint(ks[1], (B, L), 0, V, dtype=jnp.int32)
    emb = jax.random.normal(ks[2], (V, E), dtype=jnp.float32) * 0.02
    k = 1.0 / np.sqrt(H)
    W_ih = jax.random.uniform(ks[3], (4 * H, E), jnp.float32, -k, k)
    W_hh = jax.random.uniform(ks[4], (4 * H, H), jnp.float32, -k, k)
    b_ih = jax.random.uniform(ks[5], (4 * H,), jnp.float32, -k, k)
    b_hh = jax.random.uniform(ks[6], (4 * H,), jnp.float32, -k, k)
    kf = 1.0 / np.sqrt(H)
    W_out = jax.random.uniform(ks[7], (V, H), jnp.float32, -kf, kf)
    b_out = jax.random.uniform(ks[8], (V,), jnp.float32, -kf, kf)
    # torch module draws random h0/c0 inside forward (init_hidden uses randn);
    # we materialize them deterministically here.
    h0 = jax.random.normal(ks[9], (1, B, H), dtype=jnp.float32)
    c0 = jax.random.normal(ks[10], (1, B, H), dtype=jnp.float32)
    return {"features": features, "captions": captions, "emb": emb,
            "W_ih": W_ih, "W_hh": W_hh, "b_ih": b_ih, "b_hh": b_hh,
            "W_out": W_out, "b_out": b_out, "h0": h0, "c0": c0}


def reference(features, captions, emb, W_ih, W_hh, b_ih, b_hh, W_out, b_out, h0, c0):
    # captions[:, :-1]
    caps = captions[:, :-1]
    embeds = jnp.take(emb, caps, axis=0)                    # [B, L-1, E]
    full = jnp.concatenate([features[:, None, :], embeds], axis=1)  # [B, L, E]
    xs = jnp.swapaxes(full, 0, 1)                           # [L, B, E]

    def step(carry, x):
        h, c = carry
        gates = x @ W_ih.T + h @ W_hh.T + b_ih + b_hh       # [B, 4H]
        i, f, g, o = jnp.split(gates, 4, axis=-1)           # torch gate order i,f,g,o
        i = jax.nn.sigmoid(i)
        f = jax.nn.sigmoid(f)
        g = jnp.tanh(g)
        o = jax.nn.sigmoid(o)
        c = f * c + i * g
        h = o * jnp.tanh(c)
        return (h, c), h

    (_, _), hs = jax.lax.scan(step, (h0[0], c0[0]), xs)     # hs: [L, B, H]
    out = jnp.swapaxes(hs, 0, 1)                            # [B, L, H]
    logits = out @ W_out.T + b_out                          # [B, L, V]
    return logits

if __name__ == "__main__":
    import jax
    _d = setup_inputs()
    print(jax.jit(kernel)(*tuple(_d.values())))

</pallas_src>

<mosaic_0001>
#map = affine_map<(d0, d1) -> (0, 0)>
module attributes {stable_mosaic.version = 14 : i64} {
  func.func @gather_kernel(%arg0: i32, %arg1: i32, %arg2: memref<2000x256xf32, #tpu.memory_space<hbm>>, %arg3: memref<1x25088xi32, #tpu.memory_space<hbm>>, %arg4: memref<25088x256xf32, #tpu.memory_space<hbm>>) attributes {dimension_semantics = [#tpu.dimension_semantics<core_parallel>, #tpu.dimension_semantics<subcore_parallel>], iteration_bounds = array<i64: 2, 16>, scalar_prefetch = 0 : i64, scratch_operands = 0 : i64, tpu.core_type = #tpu.core_type<sc_vector_subcore>, window_params = [{transform_indices = #map}, {transform_indices = #map}, {transform_indices = #map}]} {
    %mul3A = arith.constant 1 : i32
    %mul3A_0 = arith.muli %arg1, %mul3A : i32
    %add3A = arith.constant 0 : i32
    %add3A_1 = arith.addi %add3A, %mul3A_0 : i32
    %mul3A_2 = arith.constant 16 : i32
    %mul3A_3 = arith.muli %arg0, %mul3A_2 : i32
    %add3A_4 = arith.addi %add3A_1, %mul3A_3 : i32
    %lt3A = arith.constant 4 : i32
    %lt3A_5 = arith.cmpi slt, %add3A_4, %lt3A : i32
    %jit3A = arith.constant 7 : i32
    %jit3A_6 = arith.constant 6 : i32
    %select_n3A = arith.select %lt3A_5, %jit3A, %jit3A_6 : i32
    %lt3A_7 = arith.constant 4 : i32
    %lt3A_8 = arith.cmpi slt, %add3A_4, %lt3A_7 : i32
    %mul3A_9 = arith.muli %add3A_4, %select_n3A : i32
    %mul3A_10 = arith.constant 6 : i32
    %mul3A_11 = arith.muli %add3A_4, %mul3A_10 : i32
    %add3A_12 = arith.constant 4 : i32
    %add3A_13 = arith.addi %mul3A_11, %add3A_12 : i32
    %select_n3A_14 = arith.select %lt3A_8, %mul3A_9, %add3A_13 : i32
    %mul3A_15 = arith.constant 1 : i32
    %mul3A_16 = arith.muli %mul3A_15, %select_n3A : i32
    "tpu.region"() ({
      %run_scoped3A = memref.alloca() : memref<2x1x128xi32, #tpu.memory_space<vmem>>
      %run_scoped3A_17 = tpu.sem_alloc : memref<2x!tpu.dma_semaphore, #tpu.memory_space<semaphore_mem>>
      %run_scoped3A_18 = memref.alloca() : memref<2x128x256xf32, #tpu.memory_space<vmem>>
      %run_scoped3A_19 = tpu.sem_alloc : memref<2x!tpu.dma_semaphore, #tpu.memory_space<semaphore_mem>>
      %gt3A = arith.constant 0 : i32
      %gt3A_20 = arith.cmpi sgt, %mul3A_16, %gt3A : i32
      %convert_element_type3A = arith.extui %gt3A_20 : i1 to i32
      %cond3A = arith.constant 0 : i32
      %cond3A_21 = arith.cmpi ne, %convert_element_type3A, %cond3A : i32
      scf.if %cond3A_21 {
        %mul3A_22 = arith.constant 1 : i32
        %mul3A_23 = arith.muli %mul3A_22, %select_n3A : i32
        %sub3A = arith.constant 1 : i32
        %sub3A_24 = arith.subi %mul3A_23, %sub3A : i32
        %eq3A = arith.constant 0 : i32
        %eq3A_25 = arith.cmpi eq, %sub3A_24, %eq3A : i32
        %add3A_26 = arith.constant 0 : i32
        %add3A_27 = arith.addi %add3A_26, %select_n3A_14 : i32
        %select_n3A_28 = arith.constant true
        %select_n3A_29 = arith.constant 0 : i32
        %select_n3A_30 = arith.constant -1 : i32
        %select_n3A_31 = arith.select %select_n3A_28, %select_n3A_30, %select_n3A_29 : i32
        %eq3A_32 = arith.constant -1 : i32
        %eq3A_33 = arith.cmpi eq, %select_n3A_31, %eq3A_32 : i32
        %sub3A_34 = arith.constant 1 : i32
        %sub3A_35 = arith.subi %select_n3A, %sub3A_34 : i32
        %select_n3A_36 = arith.select %eq3A_33, %sub3A_35, %select_n3A_31 : i32
        %add3A_37 = arith.addi %select_n3A_36, %select_n3A_14 : i32
        %select_n3A_38 = arith.constant true
        %select_n3A_39 = arith.constant 0 : i32
        %select_n3A_40 = arith.constant 1 : i32
        %select_n3A_41 = arith.select %select_n3A_38, %select_n3A_40, %select_n3A_39 : i32
        %eq3A_42 = arith.cmpi eq, %select_n3A_41, %select_n3A : i32
        %select_n3A_43 = arith.constant 0 : i32
        %select_n3A_44 = arith.select %eq3A_42, %select_n3A_43, %select_n3A_41 : i32
        %add3A_45 = arith.addi %select_n3A_44, %select_n3A_14 : i32
        %add3A_46 = arith.constant 1 : i32
        %add3A_47 = arith.addi %select_n3A_44, %add3A_46 : i32
        %select_n3A_48 = arith.constant true
        %select_n3A_49 = arith.select %select_n3A_48, %add3A_47, %select_n3A_44 : i32
        %eq3A_50 = arith.cmpi eq, %select_n3A_49, %select_n3A : i32
        %select_n3A_51 = arith.constant 0 : i32
        %select_n3A_52 = arith.select %eq3A_50, %select_n3A_51, %select_n3A_49 : i32
        %add3A_53 = arith.addi %select_n3A_52, %select_n3A_14 : i32
        "tpu.trace_start"() <{level = 10 : i32, message = "ep_initialize_0"}> : () -> ()
        %rem3A = arith.constant 0 : i32
        %rem3A_54 = arith.constant 2 : i32
        %rem3A_55 = arith.remui %rem3A, %rem3A_54 : i32
        %mul3A_56 = arith.constant 128 : i32
        %mul3A_57 = arith.muli %mul3A_56, %add3A_27 : i32
        %dma_start3A = arith.constant 0 : i32
        %dma_start3A_58 = arith.constant 0 : i32
        %dma_start3A_59 = tpu.memref_slice %run_scoped3A[%rem3A_55, %dma_start3A, %dma_start3A_58] : memref<2x1x128xi32, #tpu.memory_space<vmem>> -> memref<1x1x128xi32, #tpu.memory_space<vmem>>
        %dma_start3A_60 = tpu.memref_squeeze %dma_start3A_59 : memref<1x1x128xi32, #tpu.memory_space<vmem>> -> memref<1x128xi32, #tpu.memory_space<vmem>>
        %dma_start3A_61 = arith.constant 0 : i32
        %dma_start3A_62 = tpu.memref_slice %arg3[%dma_start3A_61, %mul3A_57] : memref<1x25088xi32, #tpu.memory_space<hbm>> -> memref<1x128xi32, #tpu.memory_space<hbm>>
        %dma_start3A_63 = tpu.memref_slice %run_scoped3A_17[%rem3A_55] : memref<2x!tpu.dma_semaphore, #tpu.memory_space<semaphore_mem>> -> memref<1x!tpu.dma_semaphore, #tpu.memory_space<semaphore_mem>>
        %dma_start3A_64 = tpu.memref_squeeze %dma_start3A_63 : memref<1x!tpu.dma_semaphore, #tpu.memory_space<semaphore_mem>> -> memref<!tpu.dma_semaphore, #tpu.memory_space<semaphore_mem>>
        %dma_start3A_65 = arith.constant 0 : i32
        %dma_start3A_66 = arith.constant 0 : i32
        %dma_start3A_67 = tpu.memref_slice %run_scoped3A[%rem3A_55, %dma_start3A_65, %dma_start3A_66] : memref<2x1x128xi32, #tpu.memory_space<vmem>> -> memref<1x1x128xi32, #tpu.memory_space<vmem>>
        %dma_start3A_68 = tpu.memref_squeeze %dma_start3A_67 : memref<1x1x128xi32, #tpu.memory_space<vmem>> -> memref<1x128xi32, #tpu.memory_space<vmem>>
        %dma_start3A_69 = arith.constant 0 : i32
        %dma_start3A_70 = tpu.memref_slice %arg3[%dma_start3A_69, %mul3A_57] : memref<1x25088xi32, #tpu.memory_space<hbm>> -> memref<1x128xi32, #tpu.memory_space<hbm>>
        tpu.enqueue_dma source(%dma_start3A_70 : memref<1x128xi32, #tpu.memory_space<hbm>>) target(%dma_start3A_68 : memref<1x128xi32, #tpu.memory_space<vmem>>) target_semaphore(%dma_start3A_64 : memref<!tpu.dma_semaphore, #tpu.memory_space<semaphore_mem>>)
        %add3A_71 = arith.constant 0 : i32
        %add3A_72 = arith.constant 1 : i32
        %add3A_73 = arith.addi %add3A_71, %add3A_72 : i32
        %select_n3A_74 = arith.constant true
        %select_n3A_75 = arith.constant 0 : i32
        %select_n3A_76 = arith.select %select_n3A_74, %add3A_73, %select_n3A_75 : i32
        %while3A = arith.constant 0 : i32
        %while3A_77 = arith.constant 0 : i32
        %while3A_78 = arith.constant 0 : i32
        %while3A_79 = arith.constant 0 : i32
        %while3A_80 = arith.constant 0 : i32
        "tpu.trace_stop"() : () -> ()
        %while3A_81 = arith.subi %mul3A_16, %while3A : i32
        %while3A_82 = arith.addi %while3A, %while3A_81 : i32
        %while3A_83 = arith.constant 1 : i32
        %while3A_84 = arith.divsi %while3A_81, %while3A_83 : i32
        %while3A_85 = arith.muli %while3A_84, %while3A_83 : i32
        %while3A_86 = arith.addi %while3A, %while3A_85 : i32
        %while3A_87 = arith.constant 1 : i32
        %while3A_88:5 = scf.for %while3A_142 = %while3A to %while3A_86 step %while3A_87 iter_args(%while3A_143 = %select_n3A_76, %while3A_144 = %while3A_77, %while3A_145 = %while3A_78, %while3A_146 = %while3A_79, %while3A_147 = %while3A_80) -> (i32, i32, i32, i32, i32)  : i32 {
          %mul3A_148 = arith.constant 1 : i32
          %mul3A_149 = arith.muli %mul3A_148, %select_n3A : i32
          %eq3A_150 = arith.constant 0 : i32
          %eq3A_151 = arith.cmpi eq, %while3A_142, %eq3A_150 : i32
          %sub3A_152 = arith.constant 1 : i32
          %sub3A_153 = arith.subi %mul3A_149, %sub3A_152 : i32
          %eq3A_154 = arith.cmpi eq, %while3A_142, %sub3A_153 : i32
          %add3A_155 = arith.addi %while3A_147, %select_n3A_14 : i32
          %sub3A_156 = arith.constant 1 : i32
          %sub3A_157 = arith.subi %while3A_147, %sub3A_156 : i32
          %select_n3A_158 = arith.constant true
          %select_n3A_159 = arith.select %select_n3A_158, %sub3A_157, %while3A_147 : i32
          %eq3A_160 = arith.constant -1 : i32
          %eq3A_161 = arith.cmpi eq, %select_n3A_159, %eq3A_160 : i32
          %sub3A_162 = arith.constant 1 : i32
          %sub3A_163 = arith.subi %select_n3A, %sub3A_162 : i32
          %select_n3A_164 = arith.select %eq3A_161, %sub3A_163, %select_n3A_159 : i32
          %add3A_165 = arith.addi %select_n3A_164, %select_n3A_14 : i32
          %add3A_166 = arith.constant 1 : i32
          %add3A_167 = arith.addi %while3A_147, %add3A_166 : i32
          %select_n3A_168 = arith.constant true
          %select_n3A_169 = arith.select %select_n3A_168, %add3A_167, %while3A_147 : i32
          %eq3A_170 = arith.cmpi eq, %select_n3A_169, %select_n3A : i32
          %select_n3A_171 = arith.constant 0 : i32
          %select_n3A_172 = arith.select %eq3A_170, %select_n3A_171, %select_n3A_169 : i32
          %add3A_173 = arith.addi %select_n3A_172, %select_n3A_14 : i32
          %add3A_174 = arith.constant 1 : i32
          %add3A_175 = arith.addi %select_n3A_172, %add3A_174 : i32
          %select_n3A_176 = arith.constant true
          %select_n3A_177 = arith.select %select_n3A_176, %add3A_175, %select_n3A_172 : i32
          %eq3A_178 = arith.cmpi eq, %select_n3A_177, %select_n3A : i32
          %select_n3A_179 = arith.constant 0 : i32
          %select_n3A_180 = arith.select %eq3A_178, %select_n3A_179, %select_n3A_177 : i32
          %add3A_181 = arith.addi %select_n3A_180, %select_n3A_14 : i32
          %ne3A = arith.cmpi ne, %add3A_155, %add3A_173 : i32
          %or3A = arith.constant false
          %or3A_182 = arith.ori %or3A, %ne3A : i1
          %sub3A_183 = arith.constant 2 : i32
          %sub3A_184 = arith.subi %mul3A_149, %sub3A_183 : i32
          %add3A_185 = arith.constant 1 : i32
          %add3A_186 = arith.addi %sub3A_184, %add3A_185 : i32
          %ge3A = arith.cmpi sge, %while3A_142, %add3A_186 : i32
          %not3A = arith.constant true
          %not3A_187 = arith.xori %ge3A, %not3A : i1
          %and3A = arith.andi %or3A_182, %not3A_187 : i1
          %convert_element_type3A_188 = arith.extui %and3A : i1 to i32
          %cond3A_189 = arith.constant 0 : i32
          %cond3A_190 = arith.cmpi ne, %convert_element_type3A_188, %cond3A_189 : i32
          scf.if %cond3A_190 {
            "tpu.trace_start"() <{level = 10 : i32, message = "ep_copy_in"}> : () -> ()
            %rem3A_294 = arith.constant 2 : i32
            %rem3A_295 = arith.remui %while3A_143, %rem3A_294 : i32
            %mul3A_296 = arith.constant 128 : i32
            %mul3A_297 = arith.muli %mul3A_296, %add3A_173 : i32
            %dma_start3A_298 = arith.constant 0 : i32
            %dma_start3A_299 = arith.constant 0 : i32
            %dma_start3A_300 = tpu.memref_slice %run_scoped3A[%rem3A_295, %dma_start3A_298, %dma_start3A_299] : memref<2x1x128xi32, #tpu.memory_space<vmem>> -> memref<1x1x128xi32, #tpu.memory_space<vmem>>
            %dma_start3A_301 = tpu.memref_squeeze %dma_start3A_300 : memref<1x1x128xi32, #tpu.memory_space<vmem>> -> memref<1x128xi32, #tpu.memory_space<vmem>>
            %dma_start3A_302 = arith.constant 0 : i32
            %dma_start3A_303 = tpu.memref_slice %arg3[%dma_start3A_302, %mul3A_297] : memref<1x25088xi32, #tpu.memory_space<hbm>> -> memref<1x128xi32, #tpu.memory_space<hbm>>
            %dma_start3A_304 = tpu.memref_slice %run_scoped3A_17[%rem3A_295] : memref<2x!tpu.dma_semaphore, #tpu.memory_space<semaphore_mem>> -> memref<1x!tpu.dma_semaphore, #tpu.memory_space<semaphore_mem>>
            %dma_start3A_305 = tpu.memref_squeeze %dma_start3A_304 : memref<1x!tpu.dma_semaphore, #tpu.memory_space<semaphore_mem>> -> memref<!tpu.dma_semaphore, #tpu.memory_space<semaphore_mem>>
            %dma_start3A_306 = arith.constant 0 : i32
            %dma_start3A_307 = arith.constant 0 : i32
            %dma_start3A_308 = tpu.memref_slice %run_scoped3A[%rem3A_295, %dma_start3A_306, %dma_start3A_307] : memref<2x1x128xi32, #tpu.memory_space<vmem>> -> memref<1x1x128xi32, #tpu.memory_space<vmem>>
            %dma_start3A_309 = tpu.memref_squeeze %dma_start3A_308 : memref<1x1x128xi32, #tpu.memory_space<vmem>> -> memref<1x128xi32, #tpu.memory_space<vmem>>
            %dma_start3A_310 = arith.constant 0 : i32
            %dma_start3A_311 = tpu.memref_slice %arg3[%dma_start3A_310, %mul3A_297] : memref<1x25088xi32, #tpu.memory_space<hbm>> -> memref<1x128xi32, #tpu.memory_space<hbm>>
            tpu.enqueue_dma source(%dma_start3A_311 : memref<1x128xi32, #tpu.memory_space<hbm>>) target(%dma_start3A_309 : memref<1x128xi32, #tpu.memory_space<vmem>>) target_semaphore(%dma_start3A_305 : memref<!tpu.dma_semaphore, #tpu.memory_space<semaphore_mem>>)
            "tpu.trace_stop"() : () -> ()
          } else {
          }
          %and3A_191 = arith.constant true
          %and3A_192 = arith.andi %and3A, %and3A_191 : i1
          %add3A_193 = arith.constant 1 : i32
          %add3A_194 = arith.addi %while3A_143, %add3A_193 : i32
          %select_n3A_195 = arith.select %and3A_192, %add3A_194, %while3A_143 : i32
          %ne3A_196 = arith.cmpi ne, %add3A_155, %add3A_173 : i32
          %or3A_197 = arith.constant false
          %or3A_198 = arith.ori %or3A_197, %ne3A_196 : i1
          %or3A_199 = arith.constant false
          %or3A_200 = arith.ori %or3A_198, %or3A_199 : i1
          %sub3A_201 = arith.constant 2 : i32
          %sub3A_202 = arith.subi %mul3A_149, %sub3A_201 : i32
          %add3A_203 = arith.constant 1 : i32
          %add3A_204 = arith.addi %sub3A_202, %add3A_203 : i32
          %ge3A_205 = arith.cmpi sge, %while3A_142, %add3A_204 : i32
          %not3A_206 = arith.constant true
          %not3A_207 = arith.xori %ge3A_205, %not3A_206 : i1
          %and3A_208 = arith.andi %or3A_200, %not3A_207 : i1
          %ne3A_209 = arith.cmpi ne, %add3A_155, %add3A_165 : i32
          %or3A_210 = arith.constant false
          %or3A_211 = arith.ori %or3A_210, %ne3A_209 : i1
          %or3A_212 = arith.ori %or3A_211, %eq3A_151 : i1
          %convert_element_type3A_213 = arith.extui %or3A_212 : i1 to i32
          %cond3A_214 = arith.constant 0 : i32
          %cond3A_215 = arith.cmpi ne, %convert_element_type3A_213, %cond3A_214 : i32
          scf.if %cond3A_215 {
            "tpu.trace_start"() <{level = 10 : i32, message = "ep_wait_in"}> : () -> ()
            %mul3A_294 = arith.constant 128 : i32
            %mul3A_295 = arith.muli %mul3A_294, %add3A_155 : i32
            %rem3A_296 = arith.constant 2 : i32
            %rem3A_297 = arith.remui %while3A_144, %rem3A_296 : i32
            %dma_wait3A = arith.constant 0 : i32
            %dma_wait3A_298 = arith.constant 0 : i32
            %dma_wait3A_299 = tpu.memref_slice %run_scoped3A[%rem3A_297, %dma_wait3A, %dma_wait3A_298] : memref<2x1x128xi32, #tpu.memory_space<vmem>> -> memref<1x1x128xi32, #tpu.memory_space<vmem>>
            %dma_wait3A_300 = tpu.memref_squeeze %dma_wait3A_299 : memref<1x1x128xi32, #tpu.memory_space<vmem>> -> memref<1x128xi32, #tpu.memory_space<vmem>>
            %dma_wait3A_301 = arith.constant 0 : i32
            %dma_wait3A_302 = tpu.memref_slice %arg3[%dma_wait3A_301, %mul3A_295] : memref<1x25088xi32, #tpu.memory_space<hbm>> -> memref<1x128xi32, #tpu.memory_space<hbm>>
            %dma_wait3A_303 = tpu.memref_slice %run_scoped3A_17[%rem3A_297] : memref<2x!tpu.dma_semaphore, #tpu.memory_space<semaphore_mem>> -> memref<1x!tpu.dma_semaphore, #tpu.memory_space<semaphore_mem>>
            %dma_wait3A_304 = tpu.memref_squeeze %dma_wait3A_303 : memref<1x!tpu.dma_semaphore, #tpu.memory_space<semaphore_mem>> -> memref<!tpu.dma_semaphore, #tpu.memory_space<semaphore_mem>>
            %dma_wait3A_305 = arith.constant 0 : i32
            %dma_wait3A_306 = arith.constant 0 : i32
            %dma_wait3A_307 = tpu.memref_slice %run_scoped3A[%rem3A_297, %dma_wait3A_305, %dma_wait3A_306] : memref<2x1x128xi32, #tpu.memory_space<vmem>> -> memref<1x1x128xi32, #tpu.memory_space<vmem>>
            %dma_wait3A_308 = tpu.memref_squeeze %dma_wait3A_307 : memref<1x1x128xi32, #tpu.memory_space<vmem>> -> memref<1x128xi32, #tpu.memory_space<vmem>>
            %dma_wait3A_309 = arith.constant 0 : i32
            %dma_wait3A_310 = tpu.memref_slice %arg3[%dma_wait3A_309, %mul3A_295] : memref<1x25088xi32, #tpu.memory_space<hbm>> -> memref<1x128xi32, #tpu.memory_space<hbm>>
            tpu.wait_dma2 semaphore(%dma_wait3A_304 : memref<!tpu.dma_semaphore, #tpu.memory_space<semaphore_mem>>) src(%dma_wait3A_310 : memref<1x128xi32, #tpu.memory_space<hbm>>) dst(%dma_wait3A_308 : memref<1x128xi32, #tpu.memory_space<vmem>>)
            "tpu.trace_stop"() : () -> ()
          } else {
          }
          %ne3A_216 = arith.cmpi ne, %add3A_155, %add3A_165 : i32
          %or3A_217 = arith.constant false
          %or3A_218 = arith.ori %or3A_217, %ne3A_216 : i1
          %or3A_219 = arith.constant false
          %or3A_220 = arith.ori %or3A_218, %or3A_219 : i1
          %or3A_221 = arith.ori %or3A_220, %eq3A_151 : i1
          %convert_element_type3A_222 = arith.extui %or3A_221 : i1 to i32
          %cond3A_223 = arith.constant 0 : i32
          %cond3A_224 = arith.cmpi ne, %convert_element_type3A_222, %cond3A_223 : i32
          scf.if %cond3A_224 {
          } else {
          }
          %rem3A_225 = arith.constant 2 : i32
          %rem3A_226 = arith.remui %while3A_144, %rem3A_225 : i32
          %rem3A_227 = arith.constant 2 : i32
          %rem3A_228 = arith.remui %while3A_145, %rem3A_227 : i32
          %run_scoped3A_229 = arith.constant 0 : i32
          "tpu.trace_start"() <{level = 10 : i32, message = "ep_run_kernel"}> : () -> ()
          "tpu.region"() ({
            %run_scoped3A_294 = tpu.sem_alloc : memref<!tpu.dma_semaphore, #tpu.memory_space<semaphore_mem>>
            %dma_start3A_295 = arith.constant 0 : i32
            %dma_start3A_296 = arith.constant 0 : i32
            %dma_start3A_297 = tpu.memref_slice %run_scoped3A_18[%rem3A_228, %dma_start3A_295, %dma_start3A_296] : memref<2x128x256xf32, #tpu.memory_space<vmem>> -> memref<1x128x256xf32, #tpu.memory_space<vmem>>
            %dma_start3A_298 = tpu.memref_squeeze %dma_start3A_297 : memref<1x128x256xf32, #tpu.memory_space<vmem>> -> memref<128x256xf32, #tpu.memory_space<vmem>>
            %dma_start3A_299 = arith.constant 0 : i32
            %dma_start3A_300 = arith.constant 0 : i32
            %dma_start3A_301 = tpu.memref_slice %run_scoped3A[%rem3A_226, %dma_start3A_299, %dma_start3A_300] : memref<2x1x128xi32, #tpu.memory_space<vmem>> -> memref<1x1x128xi32, #tpu.memory_space<vmem>>
            %dma_start3A_302 = tpu.memref_squeeze %dma_start3A_301 : memref<1x1x128xi32, #tpu.memory_space<vmem>> -> memref<1x128xi32, #tpu.memory_space<vmem>>
            %dma_start3A_303 = arith.constant 0 : i32
            %dma_start3A_304 = tpu.memref_slice %dma_start3A_302[%run_scoped3A_229, %dma_start3A_303] : memref<1x128xi32, #tpu.memory_space<vmem>> -> memref<1x128xi32, #tpu.memory_space<vmem>>
            %dma_start3A_305 = tpu.memref_squeeze %dma_start3A_304 : memref<1x128xi32, #tpu.memory_space<vmem>> -> memref<128xi32, #tpu.memory_space<vmem>>
            %dma_start3A_306 = arith.constant 0 : i32
            %dma_start3A_307 = arith.constant 0 : i32
            %dma_start3A_308 = tpu.memref_slice %arg2[%dma_start3A_306, %dma_start3A_307] : memref<2000x256xf32, #tpu.memory_space<hbm>> -> memref<2000x256xf32, #tpu.memory_space<hbm>>
            tpu.enqueue_indirect_dma source(%dma_start3A_308 : memref<2000x256xf32, #tpu.memory_space<hbm>>) target(%dma_start3A_298 : memref<128x256xf32, #tpu.memory_space<vmem>>) offsets(%dma_start3A_305 : memref<128xi32, #tpu.memory_space<vmem>>) semaphore(%run_scoped3A_294 : memref<!tpu.dma_semaphore, #tpu.memory_space<semaphore_mem>>)
            %dma_wait3A = arith.constant 0 : i32
            %dma_wait3A_309 = arith.constant 0 : i32
            %dma_wait3A_310 = tpu.memref_slice %run_scoped3A_18[%rem3A_228, %dma_wait3A, %dma_wait3A_309] : memref<2x128x256xf32, #tpu.memory_space<vmem>> -> memref<1x128x256xf32, #tpu.memory_space<vmem>>
            %dma_wait3A_311 = tpu.memref_squeeze %dma_wait3A_310 : memref<1x128x256xf32, #tpu.memory_space<vmem>> -> memref<128x256xf32, #tpu.memory_space<vmem>>
            %dma_wait3A_312 = arith.constant 0 : i32
            %dma_wait3A_313 = arith.constant 0 : i32
            %dma_wait3A_314 = tpu.memref_slice %run_scoped3A[%rem3A_226, %dma_wait3A_312, %dma_wait3A_313] : memref<2x1x128xi32, #tpu.memory_space<vmem>> -> memref<1x1x128xi32, #tpu.memory_space<vmem>>
            %dma_wait3A_315 = tpu.memref_squeeze %dma_wait3A_314 : memref<1x1x128xi32, #tpu.memory_space<vmem>> -> memref<1x128xi32, #tpu.memory_space<vmem>>
            %dma_wait3A_316 = arith.constant 0 : i32
            %dma_wait3A_317 = tpu.memref_slice %dma_wait3A_315[%run_scoped3A_229, %dma_wait3A_316] : memref<1x128xi32, #tpu.memory_space<vmem>> -> memref<1x128xi32, #tpu.memory_space<vmem>>
            %dma_wait3A_318 = tpu.memref_squeeze %dma_wait3A_317 : memref<1x128xi32, #tpu.memory_space<vmem>> -> memref<128xi32, #tpu.memory_space<vmem>>
            %dma_wait3A_319 = arith.constant 0 : i32
            %dma_wait3A_320 = arith.constant 0 : i32
            %dma_wait3A_321 = tpu.memref_slice %arg2[%dma_wait3A_319, %dma_wait3A_320] : memref<2000x256xf32, #tpu.memory_space<hbm>> -> memref<2000x256xf32, #tpu.memory_space<hbm>>
            tpu.wait_indirect_dma semaphore(%run_scoped3A_294 : memref<!tpu.dma_semaphore, #tpu.memory_space<semaphore_mem>>) src(%dma_wait3A_321 : memref<2000x256xf32, #tpu.memory_space<hbm>>) dst(%dma_wait3A_311 : memref<128x256xf32, #tpu.memory_space<vmem>>)
            tpu.yield
          }) : () -> ()
          "tpu.trace_stop"() : () -> ()
          %ne3A_230 = arith.cmpi ne, %add3A_155, %add3A_173 : i32
          %or3A_231 = arith.constant false
          %or3A_232 = arith.ori %or3A_231, %ne3A_230 : i1
          %or3A_233 = arith.ori %or3A_232, %eq3A_154 : i1
          %convert_element_type3A_234 = arith.extui %or3A_233 : i1 to i32
          %cond3A_235 = arith.constant 0 : i32
          %cond3A_236 = arith.cmpi ne, %convert_element_type3A_234, %cond3A_235 : i32
          scf.if %cond3A_236 {
          } else {
          }
          %and3A_237 = arith.constant false
          %and3A_238 = arith.andi %or3A_233, %and3A_237 : i1
          %ne3A_239 = arith.cmpi ne, %add3A_155, %add3A_173 : i32
          %or3A_240 = arith.constant false
          %or3A_241 = arith.ori %or3A_240, %ne3A_239 : i1
          %or3A_242 = arith.constant false
          %or3A_243 = arith.ori %or3A_241, %or3A_242 : i1
          %or3A_244 = arith.ori %or3A_243, %eq3A_154 : i1
          %convert_element_type3A_245 = arith.extui %or3A_244 : i1 to i32
          %cond3A_246 = arith.constant 0 : i32
          %cond3A_247 = arith.cmpi ne, %convert_element_type3A_245, %cond3A_246 : i32
          scf.if %cond3A_247 {
            "tpu.trace_start"() <{level = 10 : i32, message = "ep_copy_out"}> : () -> ()
            %rem3A_294 = arith.constant 2 : i32
            %rem3A_295 = arith.remui %while3A_145, %rem3A_294 : i32
            %mul3A_296 = arith.constant 128 : i32
            %mul3A_297 = arith.muli %mul3A_296, %add3A_155 : i32
            %dma_start3A_298 = arith.constant 0 : i32
            %dma_start3A_299 = arith.constant 0 : i32
            %dma_start3A_300 = tpu.memref_slice %run_scoped3A_18[%rem3A_295, %dma_start3A_298, %dma_start3A_299] : memref<2x128x256xf32, #tpu.memory_space<vmem>> -> memref<1x128x256xf32, #tpu.memory_space<vmem>>
            %dma_start3A_301 = tpu.memref_squeeze %dma_start3A_300 : memref<1x128x256xf32, #tpu.memory_space<vmem>> -> memref<128x256xf32, #tpu.memory_space<vmem>>
            %dma_start3A_302 = arith.constant 0 : i32
            %dma_start3A_303 = tpu.memref_slice %arg4[%mul3A_297, %dma_start3A_302] : memref<25088x256xf32, #tpu.memory_space<hbm>> -> memref<128x256xf32, #tpu.memory_space<hbm>>
            %dma_start3A_304 = tpu.memref_slice %run_scoped3A_19[%rem3A_295] : memref<2x!tpu.dma_semaphore, #tpu.memory_space<semaphore_mem>> -> memref<1x!tpu.dma_semaphore, #tpu.memory_space<semaphore_mem>>
            %dma_start3A_305 = tpu.memref_squeeze %dma_start3A_304 : memref<1x!tpu.dma_semaphore, #tpu.memory_space<semaphore_mem>> -> memref<!tpu.dma_semaphore, #tpu.memory_space<semaphore_mem>>
            %dma_start3A_306 = arith.constant 0 : i32
            %dma_start3A_307 = tpu.memref_slice %arg4[%mul3A_297, %dma_start3A_306] : memref<25088x256xf32, #tpu.memory_space<hbm>> -> memref<128x256xf32, #tpu.memory_space<hbm>>
            %dma_start3A_308 = arith.constant 0 : i32
            %dma_start3A_309 = arith.constant 0 : i32
            %dma_start3A_310 = tpu.memref_slice %run_scoped3A_18[%rem3A_295, %dma_start3A_308, %dma_start3A_309] : memref<2x128x256xf32, #tpu.memory_space<vmem>> -> memref<1x128x256xf32, #tpu.memory_space<vmem>>
            %dma_start3A_311 = tpu.memref_squeeze %dma_start3A_310 : memref<1x128x256xf32, #tpu.memory_space<vmem>> -> memref<128x256xf32, #tpu.memory_space<vmem>>
            tpu.enqueue_dma source(%dma_start3A_311 : memref<128x256xf32, #tpu.memory_space<vmem>>) target(%dma_start3A_307 : memref<128x256xf32, #tpu.memory_space<hbm>>) target_semaphore(%dma_start3A_305 : memref<!tpu.dma_semaphore, #tpu.memory_space<semaphore_mem>>)
            "tpu.trace_stop"() : () -> ()
          } else {
          }
          %and3A_248 = arith.constant true
          %and3A_249 = arith.andi %or3A_244, %and3A_248 : i1
          %add3A_250 = arith.constant 1 : i32
          %add3A_251 = arith.addi %while3A_145, %add3A_250 : i32
          %select_n3A_252 = arith.select %and3A_249, %add3A_251, %while3A_145 : i32
          %ne3A_253 = arith.cmpi ne, %add3A_155, %add3A_165 : i32
          %or3A_254 = arith.constant false
          %or3A_255 = arith.ori %or3A_254, %ne3A_253 : i1
          %not3A_256 = arith.constant true
          %not3A_257 = arith.xori %eq3A_151, %not3A_256 : i1
          %and3A_258 = arith.andi %or3A_255, %not3A_257 : i1
          %convert_element_type3A_259 = arith.extui %and3A_258 : i1 to i32
          %cond3A_260 = arith.constant 0 : i32
          %cond3A_261 = arith.cmpi ne, %convert_element_type3A_259, %cond3A_260 : i32
          scf.if %cond3A_261 {
          } else {
          }
          %and3A_262 = arith.constant false
          %and3A_263 = arith.andi %and3A_258, %and3A_262 : i1
          %ne3A_264 = arith.cmpi ne, %add3A_155, %add3A_165 : i32
          %or3A_265 = arith.constant false
          %or3A_266 = arith.ori %or3A_265, %ne3A_264 : i1
          %or3A_267 = arith.constant false
          %or3A_268 = arith.ori %or3A_266, %or3A_267 : i1
          %not3A_269 = arith.constant true
          %not3A_270 = arith.xori %eq3A_151, %not3A_269 : i1
          %and3A_271 = arith.andi %or3A_268, %not3A_270 : i1
          %convert_element_type3A_272 = arith.extui %and3A_271 : i1 to i32
          %cond3A_273 = arith.constant 0 : i32
          %cond3A_274 = arith.cmpi ne, %convert_element_type3A_272, %cond3A_273 : i32
          scf.if %cond3A_274 {
            "tpu.trace_start"() <{level = 10 : i32, message = "ep_wait_out"}> : () -> ()
            %rem3A_294 = arith.constant 2 : i32
            %rem3A_295 = arith.remui %while3A_146, %rem3A_294 : i32
            %mul3A_296 = arith.constant 128 : i32
            %mul3A_297 = arith.muli %mul3A_296, %add3A_165 : i32
            %dma_wait3A = arith.constant 0 : i32
            %dma_wait3A_298 = arith.constant 0 : i32
            %dma_wait3A_299 = tpu.memref_slice %run_scoped3A_18[%rem3A_295, %dma_wait3A, %dma_wait3A_298] : memref<2x128x256xf32, #tpu.memory_space<vmem>> -> memref<1x128x256xf32, #tpu.memory_space<vmem>>
            %dma_wait3A_300 = tpu.memref_squeeze %dma_wait3A_299 : memref<1x128x256xf32, #tpu.memory_space<vmem>> -> memref<128x256xf32, #tpu.memory_space<vmem>>
            %dma_wait3A_301 = arith.constant 0 : i32
            %dma_wait3A_302 = tpu.memref_slice %arg4[%mul3A_297, %dma_wait3A_301] : memref<25088x256xf32, #tpu.memory_space<hbm>> -> memref<128x256xf32, #tpu.memory_space<hbm>>
            %dma_wait3A_303 = tpu.memref_slice %run_scoped3A_19[%rem3A_295] : memref<2x!tpu.dma_semaphore, #tpu.memory_space<semaphore_mem>> -> memref<1x!tpu.dma_semaphore, #tpu.memory_space<semaphore_mem>>
            %dma_wait3A_304 = tpu.memref_squeeze %dma_wait3A_303 : memref<1x!tpu.dma_semaphore, #tpu.memory_space<semaphore_mem>> -> memref<!tpu.dma_semaphore, #tpu.memory_space<semaphore_mem>>
            %dma_wait3A_305 = arith.constant 0 : i32
            %dma_wait3A_306 = tpu.memref_slice %arg4[%mul3A_297, %dma_wait3A_305] : memref<25088x256xf32, #tpu.memory_space<hbm>> -> memref<128x256xf32, #tpu.memory_space<hbm>>
            %dma_wait3A_307 = arith.constant 0 : i32
            %dma_wait3A_308 = arith.constant 0 : i32
            %dma_wait3A_309 = tpu.memref_slice %run_scoped3A_18[%rem3A_295, %dma_wait3A_307, %dma_wait3A_308] : memref<2x128x256xf32, #tpu.memory_space<vmem>> -> memref<1x128x256xf32, #tpu.memory_space<vmem>>
            %dma_wait3A_310 = tpu.memref_squeeze %dma_wait3A_309 : memref<1x128x256xf32, #tpu.memory_space<vmem>> -> memref<128x256xf32, #tpu.memory_space<vmem>>
            tpu.wait_dma2 semaphore(%dma_wait3A_304 : memref<!tpu.dma_semaphore, #tpu.memory_space<semaphore_mem>>) src(%dma_wait3A_310 : memref<128x256xf32, #tpu.memory_space<vmem>>) dst(%dma_wait3A_306 : memref<128x256xf32, #tpu.memory_space<hbm>>)
            "tpu.trace_stop"() : () -> ()
          } else {
          }
          %and3A_275 = arith.constant true
          %and3A_276 = arith.andi %and3A_271, %and3A_275 : i1
          %add3A_277 = arith.constant 1 : i32
          %add3A_278 = arith.addi %while3A_146, %add3A_277 : i32
          %select_n3A_279 = arith.select %and3A_276, %add3A_278, %while3A_146 : i32
          %ne3A_280 = arith.cmpi ne, %add3A_155, %add3A_173 : i32
          %or3A_281 = arith.constant false
          %or3A_282 = arith.ori %or3A_281, %ne3A_280 : i1
          %or3A_283 = arith.ori %or3A_282, %eq3A_154 : i1
          %add3A_284 = arith.constant 1 : i32
          %add3A_285 = arith.addi %while3A_144, %add3A_284 : i32
          %select_n3A_286 = arith.select %or3A_283, %add3A_285, %while3A_144 : i32
          %add3A_287 = arith.constant 1 : i32
          %add3A_288 = arith.addi %while3A_147, %add3A_287 : i32
          %select_n3A_289 = arith.constant true
          %select_n3A_290 = arith.select %select_n3A_289, %add3A_288, %while3A_147 : i32
          %eq3A_291 = arith.cmpi eq, %select_n3A_290, %select_n3A : i32
          %select_n3A_292 = arith.constant 0 : i32
          %select_n3A_293 = arith.select %eq3A_291, %select_n3A_292, %select_n3A_290 : i32
          scf.yield %select_n3A_195, %select_n3A_286, %select_n3A_252, %select_n3A_279, %select_n3A_293 : i32, i32, i32, i32, i32
        }
        %while3A_89 = arith.constant 1 : i32
        %while3A_90:5 = scf.for %while3A_142 = %while3A_86 to %while3A_82 step %while3A_89 iter_args(%while3A_143 = %while3A_88#0, %while3A_144 = %while3A_88#1, %while3A_145 = %while3A_88#2, %while3A_146 = %while3A_88#3, %while3A_147 = %while3A_88#4) -> (i32, i32, i32, i32, i32)  : i32 {
          %mul3A_148 = arith.constant 1 : i32
          %mul3A_149 = arith.muli %mul3A_148, %select_n3A : i32
          %eq3A_150 = arith.constant 0 : i32
          %eq3A_151 = arith.cmpi eq, %while3A_142, %eq3A_150 : i32
          %sub3A_152 = arith.constant 1 : i32
          %sub3A_153 = arith.subi %mul3A_149, %sub3A_152 : i32
          %eq3A_154 = arith.cmpi eq, %while3A_142, %sub3A_153 : i32
          %add3A_155 = arith.addi %while3A_147, %select_n3A_14 : i32
          %sub3A_156 = arith.constant 1 : i32
          %sub3A_157 = arith.subi %while3A_147, %sub3A_156 : i32
          %select_n3A_158 = arith.constant true
          %select_n3A_159 = arith.select %select_n3A_158, %sub3A_157, %while3A_147 : i32
          %eq3A_160 = arith.constant -1 : i32
          %eq3A_161 = arith.cmpi eq, %select_n3A_159, %eq3A_160 : i32
          %sub3A_162 = arith.constant 1 : i32
          %sub3A_163 = arith.subi %select_n3A, %sub3A_162 : i32
          %select_n3A_164 = arith.select %eq3A_161, %sub3A_163, %select_n3A_159 : i32
          %add3A_165 = arith.addi %select_n3A_164, %select_n3A_14 : i32
          %add3A_166 = arith.constant 1 : i32
          %add3A_167 = arith.addi %while3A_147, %add3A_166 : i32
          %select_n3A_168 = arith.constant true
          %select_n3A_169 = arith.select %select_n3A_168, %add3A_167, %while3A_147 : i32
          %eq3A_170 = arith.cmpi eq, %select_n3A_169, %select_n3A : i32
          %select_n3A_171 = arith.constant 0 : i32
          %select_n3A_172 = arith.select %eq3A_170, %select_n3A_171, %select_n3A_169 : i32
          %add3A_173 = arith.addi %select_n3A_172, %select_n3A_14 : i32
          %add3A_174 = arith.constant 1 : i32
          %add3A_175 = arith.addi %select_n3A_172, %add3A_174 : i32
          %select_n3A_176 = arith.constant true
          %select_n3A_177 = arith.select %select_n3A_176, %add3A_175, %select_n3A_172 : i32
          %eq3A_178 = arith.cmpi eq, %select_n3A_177, %select_n3A : i32
          %select_n3A_179 = arith.constant 0 : i32
          %select_n3A_180 = arith.select %eq3A_178, %select_n3A_179, %select_n3A_177 : i32
          %add3A_181 = arith.addi %select_n3A_180, %select_n3A_14 : i32
          %ne3A = arith.cmpi ne, %add3A_155, %add3A_173 : i32
          %or3A = arith.constant false
          %or3A_182 = arith.ori %or3A, %ne3A : i1
          %sub3A_183 = arith.constant 2 : i32
          %sub3A_184 = arith.subi %mul3A_149, %sub3A_183 : i32
          %add3A_185 = arith.constant 1 : i32
          %add3A_186 = arith.addi %sub3A_184, %add3A_185 : i32
          %ge3A = arith.cmpi sge, %while3A_142, %add3A_186 : i32
          %not3A = arith.constant true
          %not3A_187 = arith.xori %ge3A, %not3A : i1
          %and3A = arith.andi %or3A_182, %not3A_187 : i1
          %convert_element_type3A_188 = arith.extui %and3A : i1 to i32
          %cond3A_189 = arith.constant 0 : i32
          %cond3A_190 = arith.cmpi ne, %convert_element_type3A_188, %cond3A_189 : i32
          scf.if %cond3A_190 {
            "tpu.trace_start"() <{level = 10 : i32, message = "ep_copy_in"}> : () -> ()
            %rem3A_294 = arith.constant 2 : i32
            %rem3A_295 = arith.remui %while3A_143, %rem3A_294 : i32
            %mul3A_296 = arith.constant 128 : i32
            %mul3A_297 = arith.muli %mul3A_296, %add3A_173 : i32
            %dma_start3A_298 = arith.constant 0 : i32
            %dma_start3A_299 = arith.constant 0 : i32
            %dma_start3A_300 = tpu.memref_slice %run_scoped3A[%rem3A_295, %dma_start3A_298, %dma_start3A_299] : memref<2x1x128xi32, #tpu.memory_space<vmem>> -> memref<1x1x128xi32, #tpu.memory_space<vmem>>
            %dma_start3A_301 = tpu.memref_squeeze %dma_start3A_300 : memref<1x1x128xi32, #tpu.memory_space<vmem>> -> memref<1x128xi32, #tpu.memory_space<vmem>>
            %dma_start3A_302 = arith.constant 0 : i32
            %dma_start3A_303 = tpu.memref_slice %arg3[%dma_start3A_302, %mul3A_297] : memref<1x25088xi32, #tpu.memory_space<hbm>> -> memref<1x128xi32, #tpu.memory_space<hbm>>
            %dma_start3A_304 = tpu.memref_slice %run_scoped3A_17[%rem3A_295] : memref<2x!tpu.dma_semaphore, #tpu.memory_space<semaphore_mem>> -> memref<1x!tpu.dma_semaphore, #tpu.memory_space<semaphore_mem>>
            %dma_start3A_305 = tpu.memref_squeeze %dma_start3A_304 : memref<1x!tpu.dma_semaphore, #tpu.memory_space<semaphore_mem>> -> memref<!tpu.dma_semaphore, #tpu.memory_space<semaphore_mem>>
            %dma_start3A_306 = arith.constant 0 : i32
            %dma_start3A_307 = arith.constant 0 : i32
            %dma_start3A_308 = tpu.memref_slice %run_scoped3A[%rem3A_295, %dma_start3A_306, %dma_start3A_307] : memref<2x1x128xi32, #tpu.memory_space<vmem>> -> memref<1x1x128xi32, #tpu.memory_space<vmem>>
            %dma_start3A_309 = tpu.memref_squeeze %dma_start3A_308 : memref<1x1x128xi32, #tpu.memory_space<vmem>> -> memref<1x128xi32, #tpu.memory_space<vmem>>
            %dma_start3A_310 = arith.constant 0 : i32
            %dma_start3A_311 = tpu.memref_slice %arg3[%dma_start3A_310, %mul3A_297] : memref<1x25088xi32, #tpu.memory_space<hbm>> -> memref<1x128xi32, #tpu.memory_space<hbm>>
            tpu.enqueue_dma source(%dma_start3A_311 : memref<1x128xi32, #tpu.memory_space<hbm>>) target(%dma_start3A_309 : memref<1x128xi32, #tpu.memory_space<vmem>>) target_semaphore(%dma_start3A_305 : memref<!tpu.dma_semaphore, #tpu.memory_space<semaphore_mem>>)
            "tpu.trace_stop"() : () -> ()
          } else {
          }
          %and3A_191 = arith.constant true
          %and3A_192 = arith.andi %and3A, %and3A_191 : i1
          %add3A_193 = arith.constant 1 : i32
          %add3A_194 = arith.addi %while3A_143, %add3A_193 : i32
          %select_n3A_195 = arith.select %and3A_192, %add3A_194, %while3A_143 : i32
          %ne3A_196 = arith.cmpi ne, %add3A_155, %add3A_173 : i32
          %or3A_197 = arith.constant false
          %or3A_198 = arith.ori %or3A_197, %ne3A_196 : i1
          %or3A_199 = arith.constant false
          %or3A_200 = arith.ori %or3A_198, %or3A_199 : i1
          %sub3A_201 = arith.constant 2 : i32
          %sub3A_202 = arith.subi %mul3A_149, %sub3A_201 : i32
          %add3A_203 = arith.constant 1 : i32
          %add3A_204 = arith.addi %sub3A_202, %add3A_203 : i32
          %ge3A_205 = arith.cmpi sge, %while3A_142, %add3A_204 : i32
          %not3A_206 = arith.constant true
          %not3A_207 = arith.xori %ge3A_205, %not3A_206 : i1
          %and3A_208 = arith.andi %or3A_200, %not3A_207 : i1
          %ne3A_209 = arith.cmpi ne, %add3A_155, %add3A_165 : i32
          %or3A_210 = arith.constant false
          %or3A_211 = arith.ori %or3A_210, %ne3A_209 : i1
          %or3A_212 = arith.ori %or3A_211, %eq3A_151 : i1
          %convert_element_type3A_213 = arith.extui %or3A_212 : i1 to i32
          %cond3A_214 = arith.constant 0 : i32
          %cond3A_215 = arith.cmpi ne, %convert_element_type3A_213, %cond3A_214 : i32
          scf.if %cond3A_215 {
            "tpu.trace_start"() <{level = 10 : i32, message = "ep_wait_in"}> : () -> ()
            %mul3A_294 = arith.constant 128 : i32
            %mul3A_295 = arith.muli %mul3A_294, %add3A_155 : i32
            %rem3A_296 = arith.constant 2 : i32
            %rem3A_297 = arith.remui %while3A_144, %rem3A_296 : i32
            %dma_wait3A = arith.constant 0 : i32
            %dma_wait3A_298 = arith.constant 0 : i32
            %dma_wait3A_299 = tpu.memref_slice %run_scoped3A[%rem3A_297, %dma_wait3A, %dma_wait3A_298] : memref<2x1x128xi32, #tpu.memory_space<vmem>> -> memref<1x1x128xi32, #tpu.memory_space<vmem>>
            %dma_wait3A_300 = tpu.memref_squeeze %dma_wait3A_299 : memref<1x1x128xi32, #tpu.memory_space<vmem>> -> memref<1x128xi32, #tpu.memory_space<vmem>>
            %dma_wait3A_301 = arith.constant 0 : i32
            %dma_wait3A_302 = tpu.memref_slice %arg3[%dma_wait3A_301, %mul3A_295] : memref<1x25088xi32, #tpu.memory_space<hbm>> -> memref<1x128xi32, #tpu.memory_space<hbm>>
            %dma_wait3A_303 = tpu.memref_slice %run_scoped3A_17[%rem3A_297] : memref<2x!tpu.dma_semaphore, #tpu.memory_space<semaphore_mem>> -> memref<1x!tpu.dma_semaphore, #tpu.memory_space<semaphore_mem>>
            %dma_wait3A_304 = tpu.memref_squeeze %dma_wait3A_303 : memref<1x!tpu.dma_semaphore, #tpu.memory_space<semaphore_mem>> -> memref<!tpu.dma_semaphore, #tpu.memory_space<semaphore_mem>>
            %dma_wait3A_305 = arith.constant 0 : i32
            %dma_wait3A_306 = arith.constant 0 : i32
            %dma_wait3A_307 = tpu.memref_slice %run_scoped3A[%rem3A_297, %dma_wait3A_305, %dma_wait3A_306] : memref<2x1x128xi32, #tpu.memory_space<vmem>> -> memref<1x1x128xi32, #tpu.memory_space<vmem>>
            %dma_wait3A_308 = tpu.memref_squeeze %dma_wait3A_307 : memref<1x1x128xi32, #tpu.memory_space<vmem>> -> memref<1x128xi32, #tpu.memory_space<vmem>>
            %dma_wait3A_309 = arith.constant 0 : i32
            %dma_wait3A_310 = tpu.memref_slice %arg3[%dma_wait3A_309, %mul3A_295] : memref<1x25088xi32, #tpu.memory_space<hbm>> -> memref<1x128xi32, #tpu.memory_space<hbm>>
            tpu.wait_dma2 semaphore(%dma_wait3A_304 : memref<!tpu.dma_semaphore, #tpu.memory_space<semaphore_mem>>) src(%dma_wait3A_310 : memref<1x128xi32, #tpu.memory_space<hbm>>) dst(%dma_wait3A_308 : memref<1x128xi32, #tpu.memory_space<vmem>>)
            "tpu.trace_stop"() : () -> ()
          } else {
          }
          %ne3A_216 = arith.cmpi ne, %add3A_155, %add3A_165 : i32
          %or3A_217 = arith.constant false
          %or3A_218 = arith.ori %or3A_217, %ne3A_216 : i1
          %or3A_219 = arith.constant false
          %or3A_220 = arith.ori %or3A_218, %or3A_219 : i1
          %or3A_221 = arith.ori %or3A_220, %eq3A_151 : i1
          %convert_element_type3A_222 = arith.extui %or3A_221 : i1 to i32
          %cond3A_223 = arith.constant 0 : i32
          %cond3A_224 = arith.cmpi ne, %convert_element_type3A_222, %cond3A_223 : i32
          scf.if %cond3A_224 {
          } else {
          }
          %rem3A_225 = arith.constant 2 : i32
          %rem3A_226 = arith.remui %while3A_144, %rem3A_225 : i32
          %rem3A_227 = arith.constant 2 : i32
          %rem3A_228 = arith.remui %while3A_145, %rem3A_227 : i32
          %run_scoped3A_229 = arith.constant 0 : i32
          "tpu.trace_start"() <{level = 10 : i32, message = "ep_run_kernel"}> : () -> ()
          "tpu.region"() ({
            %run_scoped3A_294 = tpu.sem_alloc : memref<!tpu.dma_semaphore, #tpu.memory_space<semaphore_mem>>
            %dma_start3A_295 = arith.constant 0 : i32
            %dma_start3A_296 = arith.constant 0 : i32
            %dma_start3A_297 = tpu.memref_slice %run_scoped3A_18[%rem3A_228, %dma_start3A_295, %dma_start3A_296] : memref<2x128x256xf32, #tpu.memory_space<vmem>> -> memref<1x128x256xf32, #tpu.memory_space<vmem>>
            %dma_start3A_298 = tpu.memref_squeeze %dma_start3A_297 : memref<1x128x256xf32, #tpu.memory_space<vmem>> -> memref<128x256xf32, #tpu.memory_space<vmem>>
            %dma_start3A_299 = arith.constant 0 : i32
            %dma_start3A_300 = arith.constant 0 : i32
            %dma_start3A_301 = tpu.memref_slice %run_scoped3A[%rem3A_226, %dma_start3A_299, %dma_start3A_300] : memref<2x1x128xi32, #tpu.memory_space<vmem>> -> memref<1x1x128xi32, #tpu.memory_space<vmem>>
            %dma_start3A_302 = tpu.memref_squeeze %dma_start3A_301 : memref<1x1x128xi32, #tpu.memory_space<vmem>> -> memref<1x128xi32, #tpu.memory_space<vmem>>
            %dma_start3A_303 = arith.constant 0 : i32
            %dma_start3A_304 = tpu.memref_slice %dma_start3A_302[%run_scoped3A_229, %dma_start3A_303] : memref<1x128xi32, #tpu.memory_space<vmem>> -> memref<1x128xi32, #tpu.memory_space<vmem>>
            %dma_start3A_305 = tpu.memref_squeeze %dma_start3A_304 : memref<1x128xi32, #tpu.memory_space<vmem>> -> memref<128xi32, #tpu.memory_space<vmem>>
            %dma_start3A_306 = arith.constant 0 : i32
            %dma_start3A_307 = arith.constant 0 : i32
            %dma_start3A_308 = tpu.memref_slice %arg2[%dma_start3A_306, %dma_start3A_307] : memref<2000x256xf32, #tpu.memory_space<hbm>> -> memref<2000x256xf32, #tpu.memory_space<hbm>>
            tpu.enqueue_indirect_dma source(%dma_start3A_308 : memref<2000x256xf32, #tpu.memory_space<hbm>>) target(%dma_start3A_298 : memref<128x256xf32, #tpu.memory_space<vmem>>) offsets(%dma_start3A_305 : memref<128xi32, #tpu.memory_space<vmem>>) semaphore(%run_scoped3A_294 : memref<!tpu.dma_semaphore, #tpu.memory_space<semaphore_mem>>)
            %dma_wait3A = arith.constant 0 : i32
            %dma_wait3A_309 = arith.constant 0 : i32
            %dma_wait3A_310 = tpu.memref_slice %run_scoped3A_18[%rem3A_228, %dma_wait3A, %dma_wait3A_309] : memref<2x128x256xf32, #tpu.memory_space<vmem>> -> memref<1x128x256xf32, #tpu.memory_space<vmem>>
            %dma_wait3A_311 = tpu.memref_squeeze %dma_wait3A_310 : memref<1x128x256xf32, #tpu.memory_space<vmem>> -> memref<128x256xf32, #tpu.memory_space<vmem>>
            %dma_wait3A_312 = arith.constant 0 : i32
            %dma_wait3A_313 = arith.constant 0 : i32
            %dma_wait3A_314 = tpu.memref_slice %run_scoped3A[%rem3A_226, %dma_wait3A_312, %dma_wait3A_313] : memref<2x1x128xi32, #tpu.memory_space<vmem>> -> memref<1x1x128xi32, #tpu.memory_space<vmem>>
            %dma_wait3A_315 = tpu.memref_squeeze %dma_wait3A_314 : memref<1x1x128xi32, #tpu.memory_space<vmem>> -> memref<1x128xi32, #tpu.memory_space<vmem>>
            %dma_wait3A_316 = arith.constant 0 : i32
            %dma_wait3A_317 = tpu.memref_slice %dma_wait3A_315[%run_scoped3A_229, %dma_wait3A_316] : memref<1x128xi32, #tpu.memory_space<vmem>> -> memref<1x128xi32, #tpu.memory_space<vmem>>
            %dma_wait3A_318 = tpu.memref_squeeze %dma_wait3A_317 : memref<1x128xi32, #tpu.memory_space<vmem>> -> memref<128xi32, #tpu.memory_space<vmem>>
            %dma_wait3A_319 = arith.constant 0 : i32
            %dma_wait3A_320 = arith.constant 0 : i32
            %dma_wait3A_321 = tpu.memref_slice %arg2[%dma_wait3A_319, %dma_wait3A_320] : memref<2000x256xf32, #tpu.memory_space<hbm>> -> memref<2000x256xf32, #tpu.memory_space<hbm>>
            tpu.wait_indirect_dma semaphore(%run_scoped3A_294 : memref<!tpu.dma_semaphore, #tpu.memory_space<semaphore_mem>>) src(%dma_wait3A_321 : memref<2000x256xf32, #tpu.memory_space<hbm>>) dst(%dma_wait3A_311 : memref<128x256xf32, #tpu.memory_space<vmem>>)
            tpu.yield
          }) : () -> ()
          "tpu.trace_stop"() : () -> ()
          %ne3A_230 = arith.cmpi ne, %add3A_155, %add3A_173 : i32
          %or3A_231 = arith.constant false
          %or3A_232 = arith.ori %or3A_231, %ne3A_230 : i1
          %or3A_233 = arith.ori %or3A_232, %eq3A_154 : i1
          %convert_element_type3A_234 = arith.extui %or3A_233 : i1 to i32
          %cond3A_235 = arith.constant 0 : i32
          %cond3A_236 = arith.cmpi ne, %convert_element_type3A_234, %cond3A_235 : i32
          scf.if %cond3A_236 {
          } else {
          }
          %and3A_237 = arith.constant false
          %and3A_238 = arith.andi %or3A_233, %and3A_237 : i1
          %ne3A_239 = arith.cmpi ne, %add3A_155, %add3A_173 : i32
          %or3A_240 = arith.constant false
          %or3A_241 = arith.ori %or3A_240, %ne3A_239 : i1
          %or3A_242 = arith.constant false
          %or3A_243 = arith.ori %or3A_241, %or3A_242 : i1
          %or3A_244 = arith.ori %or3A_243, %eq3A_154 : i1
          %convert_element_type3A_245 = arith.extui %or3A_244 : i1 to i32
          %cond3A_246 = arith.constant 0 : i32
          %cond3A_247 = arith.cmpi ne, %convert_element_type3A_245, %cond3A_246 : i32
          scf.if %cond3A_247 {
            "tpu.trace_start"() <{level = 10 : i32, message = "ep_copy_out"}> : () -> ()
            %rem3A_294 = arith.constant 2 : i32
            %rem3A_295 = arith.remui %while3A_145, %rem3A_294 : i32
            %mul3A_296 = arith.constant 128 : i32
            %mul3A_297 = arith.muli %mul3A_296, %add3A_155 : i32
            %dma_start3A_298 = arith.constant 0 : i32
            %dma_start3A_299 = arith.constant 0 : i32
            %dma_start3A_300 = tpu.memref_slice %run_scoped3A_18[%rem3A_295, %dma_start3A_298, %dma_start3A_299] : memref<2x128x256xf32, #tpu.memory_space<vmem>> -> memref<1x128x256xf32, #tpu.memory_space<vmem>>
            %dma_start3A_301 = tpu.memref_squeeze %dma_start3A_300 : memref<1x128x256xf32, #tpu.memory_space<vmem>> -> memref<128x256xf32, #tpu.memory_space<vmem>>
            %dma_start3A_302 = arith.constant 0 : i32
            %dma_start3A_303 = tpu.memref_slice %arg4[%mul3A_297, %dma_start3A_302] : memref<25088x256xf32, #tpu.memory_space<hbm>> -> memref<128x256xf32, #tpu.memory_space<hbm>>
            %dma_start3A_304 = tpu.memref_slice %run_scoped3A_19[%rem3A_295] : memref<2x!tpu.dma_semaphore, #tpu.memory_space<semaphore_mem>> -> memref<1x!tpu.dma_semaphore, #tpu.memory_space<semaphore_mem>>
            %dma_start3A_305 = tpu.memref_squeeze %dma_start3A_304 : memref<1x!tpu.dma_semaphore, #tpu.memory_space<semaphore_mem>> -> memref<!tpu.dma_semaphore, #tpu.memory_space<semaphore_mem>>
            %dma_start3A_306 = arith.constant 0 : i32
            %dma_start3A_307 = tpu.memref_slice %arg4[%mul3A_297, %dma_start3A_306] : memref<25088x256xf32, #tpu.memory_space<hbm>> -> memref<128x256xf32, #tpu.memory_space<hbm>>
            %dma_start3A_308 = arith.constant 0 : i32
            %dma_start3A_309 = arith.constant 0 : i32
            %dma_start3A_310 = tpu.memref_slice %run_scoped3A_18[%rem3A_295, %dma_start3A_308, %dma_start3A_309] : memref<2x128x256xf32, #tpu.memory_space<vmem>> -> memref<1x128x256xf32, #tpu.memory_space<vmem>>
            %dma_start3A_311 = tpu.memref_squeeze %dma_start3A_310 : memref<1x128x256xf32, #tpu.memory_space<vmem>> -> memref<128x256xf32, #tpu.memory_space<vmem>>
            tpu.enqueue_dma source(%dma_start3A_311 : memref<128x256xf32, #tpu.memory_space<vmem>>) target(%dma_start3A_307 : memref<128x256xf32, #tpu.memory_space<hbm>>) target_semaphore(%dma_start3A_305 : memref<!tpu.dma_semaphore, #tpu.memory_space<semaphore_mem>>)
            "tpu.trace_stop"() : () -> ()
          } else {
          }
          %and3A_248 = arith.constant true
          %and3A_249 = arith.andi %or3A_244, %and3A_248 : i1
          %add3A_250 = arith.constant 1 : i32
          %add3A_251 = arith.addi %while3A_145, %add3A_250 : i32
          %select_n3A_252 = arith.select %and3A_249, %add3A_251, %while3A_145 : i32
          %ne3A_253 = arith.cmpi ne, %add3A_155, %add3A_165 : i32
          %or3A_254 = arith.constant false
          %or3A_255 = arith.ori %or3A_254, %ne3A_253 : i1
          %not3A_256 = arith.constant true
          %not3A_257 = arith.xori %eq3A_151, %not3A_256 : i1
          %and3A_258 = arith.andi %or3A_255, %not3A_257 : i1
          %convert_element_type3A_259 = arith.extui %and3A_258 : i1 to i32
          %cond3A_260 = arith.constant 0 : i32
          %cond3A_261 = arith.cmpi ne, %convert_element_type3A_259, %cond3A_260 : i32
          scf.if %cond3A_261 {
          } else {
          }
          %and3A_262 = arith.constant false
          %and3A_263 = arith.andi %and3A_258, %and3A_262 : i1
          %ne3A_264 = arith.cmpi ne, %add3A_155, %add3A_165 : i32
          %or3A_265 = arith.constant false
          %or3A_266 = arith.ori %or3A_265, %ne3A_264 : i1
          %or3A_267 = arith.constant false
          %or3A_268 = arith.ori %or3A_266, %or3A_267 : i1
          %not3A_269 = arith.constant true
          %not3A_270 = arith.xori %eq3A_151, %not3A_269 : i1
          %and3A_271 = arith.andi %or3A_268, %not3A_270 : i1
          %convert_element_type3A_272 = arith.extui %and3A_271 : i1 to i32
          %cond3A_273 = arith.constant 0 : i32
          %cond3A_274 = arith.cmpi ne, %convert_element_type3A_272, %cond3A_273 : i32
          scf.if %cond3A_274 {
            "tpu.trace_start"() <{level = 10 : i32, message = "ep_wait_out"}> : () -> ()
            %rem3A_294 = arith.constant 2 : i32
            %rem3A_295 = arith.remui %while3A_146, %rem3A_294 : i32
            %mul3A_296 = arith.constant 128 : i32
            %mul3A_297 = arith.muli %mul3A_296, %add3A_165 : i32
            %dma_wait3A = arith.constant 0 : i32
            %dma_wait3A_298 = arith.constant 0 : i32
            %dma_wait3A_299 = tpu.memref_slice %run_scoped3A_18[%rem3A_295, %dma_wait3A, %dma_wait3A_298] : memref<2x128x256xf32, #tpu.memory_space<vmem>> -> memref<1x128x256xf32, #tpu.memory_space<vmem>>
            %dma_wait3A_300 = tpu.memref_squeeze %dma_wait3A_299 : memref<1x128x256xf32, #tpu.memory_space<vmem>> -> memref<128x256xf32, #tpu.memory_space<vmem>>
            %dma_wait3A_301 = arith.constant 0 : i32
            %dma_wait3A_302 = tpu.memref_slice %arg4[%mul3A_297, %dma_wait3A_301] : memref<25088x256xf32, #tpu.memory_space<hbm>> -> memref<128x256xf32, #tpu.memory_space<hbm>>
            %dma_wait3A_303 = tpu.memref_slice %run_scoped3A_19[%rem3A_295] : memref<2x!tpu.dma_semaphore, #tpu.memory_space<semaphore_mem>> -> memref<1x!tpu.dma_semaphore, #tpu.memory_space<semaphore_mem>>
            %dma_wait3A_304 = tpu.memref_squeeze %dma_wait3A_303 : memref<1x!tpu.dma_semaphore, #tpu.memory_space<semaphore_mem>> -> memref<!tpu.dma_semaphore, #tpu.memory_space<semaphore_mem>>
            %dma_wait3A_305 = arith.constant 0 : i32
            %dma_wait3A_306 = tpu.memref_slice %arg4[%mul3A_297, %dma_wait3A_305] : memref<25088x256xf32, #tpu.memory_space<hbm>> -> memref<128x256xf32, #tpu.memory_space<hbm>>
            %dma_wait3A_307 = arith.constant 0 : i32
            %dma_wait3A_308 = arith.constant 0 : i32
            %dma_wait3A_309 = tpu.memref_slice %run_scoped3A_18[%rem3A_295, %dma_wait3A_307, %dma_wait3A_308] : memref<2x128x256xf32, #tpu.memory_space<vmem>> -> memref<1x128x256xf32, #tpu.memory_space<vmem>>
            %dma_wait3A_310 = tpu.memref_squeeze %dma_wait3A_309 : memref<1x128x256xf32, #tpu.memory_space<vmem>> -> memref<128x256xf32, #tpu.memory_space<vmem>>
            tpu.wait_dma2 semaphore(%dma_wait3A_304 : memref<!tpu.dma_semaphore, #tpu.memory_space<semaphore_mem>>) src(%dma_wait3A_310 : memref<128x256xf32, #tpu.memory_space<vmem>>) dst(%dma_wait3A_306 : memref<128x256xf32, #tpu.memory_space<hbm>>)
            "tpu.trace_stop"() : () -> ()
          } else {
          }
          %and3A_275 = arith.constant true
          %and3A_276 = arith.andi %and3A_271, %and3A_275 : i1
          %add3A_277 = arith.constant 1 : i32
          %add3A_278 = arith.addi %while3A_146, %add3A_277 : i32
          %select_n3A_279 = arith.select %and3A_276, %add3A_278, %while3A_146 : i32
          %ne3A_280 = arith.cmpi ne, %add3A_155, %add3A_173 : i32
          %or3A_281 = arith.constant false
          %or3A_282 = arith.ori %or3A_281, %ne3A_280 : i1
          %or3A_283 = arith.ori %or3A_282, %eq3A_154 : i1
          %add3A_284 = arith.constant 1 : i32
          %add3A_285 = arith.addi %while3A_144, %add3A_284 : i32
          %select_n3A_286 = arith.select %or3A_283, %add3A_285, %while3A_144 : i32
          %add3A_287 = arith.constant 1 : i32
          %add3A_288 = arith.addi %while3A_147, %add3A_287 : i32
          %select_n3A_289 = arith.constant true
          %select_n3A_290 = arith.select %select_n3A_289, %add3A_288, %while3A_147 : i32
          %eq3A_291 = arith.cmpi eq, %select_n3A_290, %select_n3A : i32
          %select_n3A_292 = arith.constant 0 : i32
          %select_n3A_293 = arith.select %eq3A_291, %select_n3A_292, %select_n3A_290 : i32
          scf.yield %select_n3A_195, %select_n3A_286, %select_n3A_252, %select_n3A_279, %select_n3A_293 : i32, i32, i32, i32, i32
        }
        %sub3A_91 = arith.constant 1 : i32
        %sub3A_92 = arith.subi %while3A_90#4, %sub3A_91 : i32
        %select_n3A_93 = arith.constant true
        %select_n3A_94 = arith.select %select_n3A_93, %sub3A_92, %while3A_90#4 : i32
        %eq3A_95 = arith.constant -1 : i32
        %eq3A_96 = arith.cmpi eq, %select_n3A_94, %eq3A_95 : i32
        %sub3A_97 = arith.constant 1 : i32
        %sub3A_98 = arith.subi %select_n3A, %sub3A_97 : i32
        %select_n3A_99 = arith.select %eq3A_96, %sub3A_98, %select_n3A_94 : i32
        %sub3A_100 = arith.constant 1 : i32
        %sub3A_101 = arith.subi %mul3A_16, %sub3A_100 : i32
        %mul3A_102 = arith.constant 1 : i32
        %mul3A_103 = arith.muli %mul3A_102, %select_n3A : i32
        %eq3A_104 = arith.constant 0 : i32
        %eq3A_105 = arith.cmpi eq, %sub3A_101, %eq3A_104 : i32
        %sub3A_106 = arith.constant 1 : i32
        %sub3A_107 = arith.subi %mul3A_103, %sub3A_106 : i32
        %eq3A_108 = arith.cmpi eq, %sub3A_101, %sub3A_107 : i32
        %add3A_109 = arith.addi %select_n3A_99, %select_n3A_14 : i32
        %sub3A_110 = arith.constant 1 : i32
        %sub3A_111 = arith.subi %select_n3A_99, %sub3A_110 : i32
        %select_n3A_112 = arith.constant true
        %select_n3A_113 = arith.select %select_n3A_112, %sub3A_111, %select_n3A_99 : i32
        %eq3A_114 = arith.constant -1 : i32
        %eq3A_115 = arith.cmpi eq, %select_n3A_113, %eq3A_114 : i32
        %sub3A_116 = arith.constant 1 : i32
        %sub3A_117 = arith.subi %select_n3A, %sub3A_116 : i32
        %select_n3A_118 = arith.select %eq3A_115, %sub3A_117, %select_n3A_113 : i32
        %add3A_119 = arith.addi %select_n3A_118, %select_n3A_14 : i32
        %add3A_120 = arith.constant 1 : i32
        %add3A_121 = arith.addi %select_n3A_99, %add3A_120 : i32
        %select_n3A_122 = arith.constant true
        %select_n3A_123 = arith.select %select_n3A_122, %add3A_121, %select_n3A_99 : i32
        %eq3A_124 = arith.cmpi eq, %select_n3A_123, %select_n3A : i32
        %select_n3A_125 = arith.constant 0 : i32
        %select_n3A_126 = arith.select %eq3A_124, %select_n3A_125, %select_n3A_123 : i32
        %add3A_127 = arith.addi %select_n3A_126, %select_n3A_14 : i32
        %add3A_128 = arith.constant 1 : i32
        %add3A_129 = arith.addi %select_n3A_126, %add3A_128 : i32
        %select_n3A_130 = arith.constant true
        %select_n3A_131 = arith.select %select_n3A_130, %add3A_129, %select_n3A_126 : i32
        %eq3A_132 = arith.cmpi eq, %select_n3A_131, %select_n3A : i32
        %select_n3A_133 = arith.constant 0 : i32
        %select_n3A_134 = arith.select %eq3A_132, %select_n3A_133, %select_n3A_131 : i32
        %add3A_135 = arith.addi %select_n3A_134, %select_n3A_14 : i32
        %convert_element_type3A_136 = arith.extui %eq3A_108 : i1 to i32
        %cond3A_137 = arith.constant 0 : i32
        %cond3A_138 = arith.cmpi ne, %convert_element_type3A_136, %cond3A_137 : i32
        scf.if %cond3A_138 {
        } else {
        }
        %convert_element_type3A_139 = arith.extui %eq3A_108 : i1 to i32
        %cond3A_140 = arith.constant 0 : i32
        %cond3A_141 = arith.cmpi ne, %convert_element_type3A_139, %cond3A_140 : i32
        scf.if %cond3A_141 {
          "tpu.trace_start"() <{level = 10 : i32, message = "ep_finalize"}> : () -> ()
          %rem3A_142 = arith.constant 2 : i32
          %rem3A_143 = arith.remui %while3A_90#3, %rem3A_142 : i32
          %mul3A_144 = arith.constant 128 : i32
          %mul3A_145 = arith.muli %mul3A_144, %add3A_109 : i32
          %dma_wait3A = arith.constant 0 : i32
          %dma_wait3A_146 = arith.constant 0 : i32
          %dma_wait3A_147 = tpu.memref_slice %run_scoped3A_18[%rem3A_143, %dma_wait3A, %dma_wait3A_146] : memref<2x128x256xf32, #tpu.memory_space<vmem>> -> memref<1x128x256xf32, #tpu.memory_space<vmem>>
          %dma_wait3A_148 = tpu.memref_squeeze %dma_wait3A_147 : memref<1x128x256xf32, #tpu.memory_space<vmem>> -> memref<128x256xf32, #tpu.memory_space<vmem>>
          %dma_wait3A_149 = arith.constant 0 : i32
          %dma_wait3A_150 = tpu.memref_slice %arg4[%mul3A_145, %dma_wait3A_149] : memref<25088x256xf32, #tpu.memory_space<hbm>> -> memref<128x256xf32, #tpu.memory_space<hbm>>
          %dma_wait3A_151 = tpu.memref_slice %run_scoped3A_19[%rem3A_143] : memref<2x!tpu.dma_semaphore, #tpu.memory_space<semaphore_mem>> -> memref<1x!tpu.dma_semaphore, #tpu.memory_space<semaphore_mem>>
          %dma_wait3A_152 = tpu.memref_squeeze %dma_wait3A_151 : memref<1x!tpu.dma_semaphore, #tpu.memory_space<semaphore_mem>> -> memref<!tpu.dma_semaphore, #tpu.memory_space<semaphore_mem>>
          %dma_wait3A_153 = arith.constant 0 : i32
          %dma_wait3A_154 = tpu.memref_slice %arg4[%mul3A_145, %dma_wait3A_153] : memref<25088x256xf32, #tpu.memory_space<hbm>> -> memref<128x256xf32, #tpu.memory_space<hbm>>
          %dma_wait3A_155 = arith.constant 0 : i32
          %dma_wait3A_156 = arith.constant 0 : i32
          %dma_wait3A_157 = tpu.memref_slice %run_scoped3A_18[%rem3A_143, %dma_wait3A_155, %dma_wait3A_156] : memref<2x128x256xf32, #tpu.memory_space<vmem>> -> memref<1x128x256xf32, #tpu.memory_space<vmem>>
          %dma_wait3A_158 = tpu.memref_squeeze %dma_wait3A_157 : memref<1x128x256xf32, #tpu.memory_space<vmem>> -> memref<128x256xf32, #tpu.memory_space<vmem>>
          tpu.wait_dma2 semaphore(%dma_wait3A_152 : memref<!tpu.dma_semaphore, #tpu.memory_space<semaphore_mem>>) src(%dma_wait3A_158 : memref<128x256xf32, #tpu.memory_space<vmem>>) dst(%dma_wait3A_154 : memref<128x256xf32, #tpu.memory_space<hbm>>)
          "tpu.trace_stop"() : () -> ()
        } else {
        }
      } else {
      }
      tpu.yield
    }) : () -> ()
    return
  }
}

module attributes {stable_mosaic.version = 14 : i64} {
  func.func @step_kernel(%arg0: i32, %arg1: memref<1x256x512xf32, #tpu.memory_space<vmem>>, %arg2: memref<256x512xf32, #tpu.memory_space<vmem>>, %arg3: memref<4096x512xf32, #tpu.memory_space<vmem>>, %arg4: memref<4096x1024xf32, #tpu.memory_space<vmem>>, %arg5: memref<1x4096xf32, #tpu.memory_space<vmem>>, %arg6: memref<1000x1024xf32, #tpu.memory_space<vmem>>, %arg7: memref<1x1000xf32, #tpu.memory_space<vmem>>, %arg8: memref<256x1024xf32, #tpu.memory_space<vmem>>, %arg9: memref<256x1024xf32, #tpu.memory_space<vmem>>, %arg10: memref<1x256x1000xf32, #tpu.memory_space<vmem>>, %arg11: memref<256x1024xf32, #tpu.memory_space<vmem>>, %arg12: memref<256x1024xf32, #tpu.memory_space<vmem>>) attributes {dimension_semantics = [#tpu.dimension_semantics<arbitrary>], iteration_bounds = array<i64: 51>, scalar_prefetch = 0 : i64, scratch_operands = 2 : i64, tpu.core_type = #tpu.core_type<tc>, window_params = [{transform_indices = @transform_0, window_bounds = array<i64: 1, 256, 512>}, {pipeline_mode = #tpu.pipeline_mode<synchronous>, transform_indices = @transform_1, window_bounds = array<i64: 256, 512>}, {pipeline_mode = #tpu.pipeline_mode<synchronous>, transform_indices = @transform_2, window_bounds = array<i64: 4096, 512>}, {pipeline_mode = #tpu.pipeline_mode<synchronous>, transform_indices = @transform_3, window_bounds = array<i64: 4096, 1024>}, {pipeline_mode = #tpu.pipeline_mode<synchronous>, transform_indices = @transform_4, window_bounds = array<i64: 1, 4096>}, {pipeline_mode = #tpu.pipeline_mode<synchronous>, transform_indices = @transform_5, window_bounds = array<i64: 1000, 1024>}, {pipeline_mode = #tpu.pipeline_mode<synchronous>, transform_indices = @transform_6, window_bounds = array<i64: 1, 1000>}, {pipeline_mode = #tpu.pipeline_mode<synchronous>, transform_indices = @transform_7, window_bounds = array<i64: 256, 1024>}, {pipeline_mode = #tpu.pipeline_mode<synchronous>, transform_indices = @transform_8, window_bounds = array<i64: 256, 1024>}, {transform_indices = @transform_9, window_bounds = array<i64: 1, 256, 1000>}]} {
    %eq3A = arith.constant 0 : i32
    %eq3A_0 = arith.cmpi eq, %arg0, %eq3A : i32
    %convert_element_type3A = arith.extui %eq3A_0 : i1 to i32
    %cond3A = arith.constant 0 : i32
    %cond3A_1 = arith.cmpi ne, %convert_element_type3A, %cond3A : i32
    scf.if %cond3A_1 {
      %get3A_76 = arith.constant 0 : index
      %get3A_77 = arith.constant 0 : index
      %get3A_78 = vector.load %arg8[%get3A_76, %get3A_77] : memref<256x1024xf32, #tpu.memory_space<vmem>>, vector<256x1024xf32>
      %swap3A_79 = arith.constant 0 : index
      %swap3A_80 = arith.constant 0 : index
      %swap3A_81 = vector.load %arg11[%swap3A_79, %swap3A_80] : memref<256x1024xf32, #tpu.memory_space<vmem>>, vector<256x1024xf32>
      tpu.vector_store %arg11[%swap3A_79, %swap3A_80], %get3A_78 {strides = array<i32>} : memref<256x1024xf32, #tpu.memory_space<vmem>>, vector<256x1024xf32>,
      %get3A_82 = arith.constant 0 : index
      %get3A_83 = arith.constant 0 : index
      %get3A_84 = vector.load %arg9[%get3A_82, %get3A_83] : memref<256x1024xf32, #tpu.memory_space<vmem>>, vector<256x1024xf32>
      %swap3A_85 = arith.constant 0 : index
      %swap3A_86 = arith.constant 0 : index
      %swap3A_87 = vector.load %arg12[%swap3A_85, %swap3A_86] : memref<256x1024xf32, #tpu.memory_space<vmem>>, vector<256x1024xf32>
      tpu.vector_store %arg12[%swap3A_85, %swap3A_86], %get3A_84 {strides = array<i32>} : memref<256x1024xf32, #tpu.memory_space<vmem>>, vector<256x1024xf32>,
    } else {
    }
    %get3A = arith.constant 0 : index
    %get3A_2 = arith.constant 0 : index
    %get3A_3 = vector.load %arg11[%get3A, %get3A_2] : memref<256x1024xf32, #tpu.memory_space<vmem>>, vector<256x1024xf32>
    %get3A_4 = arith.constant 0 : index
    %get3A_5 = arith.constant 0 : index
    %get3A_6 = vector.load %arg6[%get3A_4, %get3A_5] : memref<1000x1024xf32, #tpu.memory_space<vmem>>, vector<1000x1024xf32>
    %dot_general3A = arith.constant dense<0.000000e+00> : vector<256x1000xf32>
    %dot_general3A_7 = tpu.matmul %get3A_3, %get3A_6, %dot_general3A {dimension_numbers = #tpu.dot_dimension_numbers<[1], [1], [0], [0], [0, 0, 1, 0], [], []>, transpose_lhs_hint = false} : vector<256x1024xf32>, vector<1000x1024xf32>, vector<256x1000xf32> -> vector<256x1000xf32>
    %get3A_8 = arith.constant 0 : index
    %get3A_9 = arith.constant 0 : index
    %get3A_10 = vector.load %arg7[%get3A_8, %get3A_9] : memref<1x1000xf32, #tpu.memory_space<vmem>>, vector<1x1000xf32>
    %add3A = vector.broadcast %get3A_10 : vector<1x1000xf32> to vector<256x1000xf32>
    %add3A_11 = arith.addf %dot_general3A_7, %add3A : vector<256x1000xf32>
    %swap3A = arith.constant 0 : index
    %swap3A_12 = arith.constant 0 : index
    %swap3A_13 = arith.constant 0 : index
    %swap3A_14 = vector.load %arg10[%swap3A, %swap3A_12, %swap3A_13] : memref<1x256x1000xf32, #tpu.memory_space<vmem>>, vector<1x256x1000xf32>
    %swap3A_15 = vector.shape_cast %swap3A_14 : vector<1x256x1000xf32> to vector<256x1000xf32>
    %swap3A_16 = vector.shape_cast %add3A_11 : vector<256x1000xf32> to vector<1x256x1000xf32>
    tpu.vector_store %arg10[%swap3A, %swap3A_12, %swap3A_13], %swap3A_16 {strides = array<i32>} : memref<1x256x1000xf32, #tpu.memory_space<vmem>>, vector<1x256x1000xf32>,
    %eq3A_17 = arith.constant 0 : i32
    %eq3A_18 = arith.cmpi eq, %arg0, %eq3A_17 : i32
    %get3A_19 = arith.constant 0 : index
    %get3A_20 = arith.constant 0 : index
    %get3A_21 = vector.load %arg2[%get3A_19, %get3A_20] : memref<256x512xf32, #tpu.memory_space<vmem>>, vector<256x512xf32>
    %get3A_22 = arith.constant 0 : index
    %get3A_23 = arith.constant 0 : index
    %get3A_24 = arith.constant 0 : index
    %get3A_25 = vector.load %arg1[%get3A_22, %get3A_23, %get3A_24] : memref<1x256x512xf32, #tpu.memory_space<vmem>>, vector<1x256x512xf32>
    %get3A_26 = vector.shape_cast %get3A_25 : vector<1x256x512xf32> to vector<256x512xf32>
    %select_n3A = arith.select %eq3A_18, %get3A_21, %get3A_26 : vector<256x512xf32>
    %get3A_27 = arith.constant 0 : index
    %get3A_28 = arith.constant 0 : index
    %get3A_29 = vector.load %arg3[%get3A_27, %get3A_28] : memref<4096x512xf32, #tpu.memory_space<vmem>>, vector<4096x512xf32>
    %dot_general3A_30 = arith.constant dense<0.000000e+00> : vector<256x4096xf32>
    %dot_general3A_31 = tpu.matmul %select_n3A, %get3A_29, %dot_general3A_30 {dimension_numbers = #tpu.dot_dimension_numbers<[1], [1], [0], [0], [0, 0, 1, 0], [], []>, transpose_lhs_hint = false} : vector<256x512xf32>, vector<4096x512xf32>, vector<256x4096xf32> -> vector<256x4096xf32>
    %get3A_32 = arith.constant 0 : index
    %get3A_33 = arith.constant 0 : index
    %get3A_34 = vector.load %arg4[%get3A_32, %get3A_33] : memref<4096x1024xf32, #tpu.memory_space<vmem>>, vector<4096x1024xf32>
    %dot_general3A_35 = arith.constant dense<0.000000e+00> : vector<256x4096xf32>
    %dot_general3A_36 = tpu.matmul %get3A_3, %get3A_34, %dot_general3A_35 {dimension_numbers = #tpu.dot_dimension_numbers<[1], [1], [0], [0], [0, 0, 1, 0], [], []>, transpose_lhs_hint = false} : vector<256x1024xf32>, vector<4096x1024xf32>, vector<256x4096xf32> -> vector<256x4096xf32>
    %add3A_37 = arith.addf %dot_general3A_31, %dot_general3A_36 : vector<256x4096xf32>
    %get3A_38 = arith.constant 0 : index
    %get3A_39 = arith.constant 0 : index
    %get3A_40 = vector.load %arg5[%get3A_38, %get3A_39] : memref<1x4096xf32, #tpu.memory_space<vmem>>, vector<1x4096xf32>
    %add3A_41 = vector.broadcast %get3A_40 : vector<1x4096xf32> to vector<256x4096xf32>
    %add3A_42 = arith.addf %add3A_37, %add3A_41 : vector<256x4096xf32>
    %slice3A = vector.extract_strided_slice %add3A_42 {offsets = [0, 0], sizes = [256, 1024], strides = [1, 1]} : vector<256x4096xf32> to vector<256x1024xf32>
    %logistic3A = arith.negf %slice3A : vector<256x1024xf32>
    %logistic3A_43 = math.exp %logistic3A : vector<256x1024xf32>
    %logistic3A_44 = arith.constant 1.000000e+00 : f32
    %logistic3A_45 = vector.broadcast %logistic3A_44 : f32 to vector<256x1024xf32>
    %logistic3A_46 = arith.addf %logistic3A_45, %logistic3A_43 : vector<256x1024xf32>
    %logistic3A_47 = arith.divf %logistic3A_45, %logistic3A_46 : vector<256x1024xf32>
    %slice3A_48 = vector.extract_strided_slice %add3A_42 {offsets = [0, 1024], sizes = [256, 1024], strides = [1, 1]} : vector<256x4096xf32> to vector<256x1024xf32>
    %logistic3A_49 = arith.negf %slice3A_48 : vector<256x1024xf32>
    %logistic3A_50 = math.exp %logistic3A_49 : vector<256x1024xf32>
    %logistic3A_51 = arith.constant 1.000000e+00 : f32
    %logistic3A_52 = vector.broadcast %logistic3A_51 : f32 to vector<256x1024xf32>
    %logistic3A_53 = arith.addf %logistic3A_52, %logistic3A_50 : vector<256x1024xf32>
    %logistic3A_54 = arith.divf %logistic3A_52, %logistic3A_53 : vector<256x1024xf32>
    %slice3A_55 = vector.extract_strided_slice %add3A_42 {offsets = [0, 2048], sizes = [256, 1024], strides = [1, 1]} : vector<256x4096xf32> to vector<256x1024xf32>
    %tanh3A = math.tanh %slice3A_55 : vector<256x1024xf32>
    %slice3A_56 = vector.extract_strided_slice %add3A_42 {offsets = [0, 3072], sizes = [256, 1024], strides = [1, 1]} : vector<256x4096xf32> to vector<256x1024xf32>
    %logistic3A_57 = arith.negf %slice3A_56 : vector<256x1024xf32>
    %logistic3A_58 = math.exp %logistic3A_57 : vector<256x1024xf32>
    %logistic3A_59 = arith.constant 1.000000e+00 : f32
    %logistic3A_60 = vector.broadcast %logistic3A_59 : f32 to vector<256x1024xf32>
    %logistic3A_61 = arith.addf %logistic3A_60, %logistic3A_58 : vector<256x1024xf32>
    %logistic3A_62 = arith.divf %logistic3A_60, %logistic3A_61 : vector<256x1024xf32>
    %get3A_63 = arith.constant 0 : index
    %get3A_64 = arith.constant 0 : index
    %get3A_65 = vector.load %arg12[%get3A_63, %get3A_64] : memref<256x1024xf32, #tpu.memory_space<vmem>>, vector<256x1024xf32>
    %mul3A = arith.mulf %logistic3A_54, %get3A_65 : vector<256x1024xf32>
    %mul3A_66 = arith.mulf %logistic3A_47, %tanh3A : vector<256x1024xf32>
    %add3A_67 = arith.addf %mul3A, %mul3A_66 : vector<256x1024xf32>
    %tanh3A_68 = math.tanh %add3A_67 : vector<256x1024xf32>
    %mul3A_69 = arith.mulf %logistic3A_62, %tanh3A_68 : vector<256x1024xf32>
    %swap3A_70 = arith.constant 0 : index
    %swap3A_71 = arith.constant 0 : index
    %swap3A_72 = vector.load %arg12[%swap3A_70, %swap3A_71] : memref<256x1024xf32, #tpu.memory_space<vmem>>, vector<256x1024xf32>
    tpu.vector_store %arg12[%swap3A_70, %swap3A_71], %add3A_67 {strides = array<i32>} : memref<256x1024xf32, #tpu.memory_space<vmem>>, vector<256x1024xf32>,
    %swap3A_73 = arith.constant 0 : index
    %swap3A_74 = arith.constant 0 : index
    %swap3A_75 = vector.load %arg11[%swap3A_73, %swap3A_74] : memref<256x1024xf32, #tpu.memory_space<vmem>>, vector<256x1024xf32>
    tpu.vector_store %arg11[%swap3A_73, %swap3A_74], %mul3A_69 {strides = array<i32>} : memref<256x1024xf32, #tpu.memory_space<vmem>>, vector<256x1024xf32>,
    return
  }
  func.func @transform_0(%arg0: i32) -> (i32, i32, i32) {
    %sub3A = arith.constant 1 : i32
    %sub3A_0 = arith.subi %arg0, %sub3A : i32
    %jit3A = arith.constant 0 : i32
    %jit3A_1 = arith.constant 48 : i32
    %max3A = arith.maxsi %jit3A, %sub3A_0 : i32
    %min3A = arith.minsi %jit3A_1, %max3A : i32
    %c0_i32 = arith.constant 0 : i32
    %c0_i32_2 = arith.constant 0 : i32
    %c0_i32_3 = arith.constant 0 : i32
    return %min3A, %c0_i32, %c0_i32_2 : i32, i32, i32
  }
  func.func @transform_1(%arg0: i32) -> (i32, i32) {
    %c0_i32 = arith.constant 0 : i32
    %c0_i32_0 = arith.constant 0 : i32
    %c0_i32_1 = arith.constant 0 : i32
    return %c0_i32, %c0_i32_0 : i32, i32
  }
  func.func @transform_2(%arg0: i32) -> (i32, i32) {
    %c0_i32 = arith.constant 0 : i32
    %c0_i32_0 = arith.constant 0 : i32
    %c0_i32_1 = arith.constant 0 : i32
    return %c0_i32, %c0_i32_0 : i32, i32
  }
  func.func @transform_3(%arg0: i32) -> (i32, i32) {
    %c0_i32 = arith.constant 0 : i32
    %c0_i32_0 = arith.constant 0 : i32
    %c0_i32_1 = arith.constant 0 : i32
    return %c0_i32, %c0_i32_0 : i32, i32
  }
  func.func @transform_4(%arg0: i32) -> (i32, i32) {
    %c0_i32 = arith.constant 0 : i32
    %c0_i32_0 = arith.constant 0 : i32
    %c0_i32_1 = arith.constant 0 : i32
    return %c0_i32, %c0_i32_0 : i32, i32
  }
  func.func @transform_5(%arg0: i32) -> (i32, i32) {
    %c0_i32 = arith.constant 0 : i32
    %c0_i32_0 = arith.constant 0 : i32
    %c0_i32_1 = arith.constant 0 : i32
    return %c0_i32, %c0_i32_0 : i32, i32
  }
  func.func @transform_6(%arg0: i32) -> (i32, i32) {
    %c0_i32 = arith.constant 0 : i32
    %c0_i32_0 = arith.constant 0 : i32
    %c0_i32_1 = arith.constant 0 : i32
    return %c0_i32, %c0_i32_0 : i32, i32
  }
  func.func @transform_7(%arg0: i32) -> (i32, i32) {
    %c0_i32 = arith.constant 0 : i32
    %c0_i32_0 = arith.constant 0 : i32
    %c0_i32_1 = arith.constant 0 : i32
    return %c0_i32, %c0_i32_0 : i32, i32
  }
  func.func @transform_8(%arg0: i32) -> (i32, i32) {
    %c0_i32 = arith.constant 0 : i32
    %c0_i32_0 = arith.constant 0 : i32
    %c0_i32_1 = arith.constant 0 : i32
    return %c0_i32, %c0_i32_0 : i32, i32
  }
  func.func @transform_9(%arg0: i32) -> (i32, i32, i32) {
    %max3A = arith.constant 1 : i32
    %max3A_0 = arith.maxsi %arg0, %max3A : i32
    %sub3A = arith.constant 1 : i32
    %sub3A_1 = arith.subi %max3A_0, %sub3A : i32
    %c0_i32 = arith.constant 0 : i32
    %c0_i32_2 = arith.constant 0 : i32
    %c0_i32_3 = arith.constant 0 : i32
    return %sub3A_1, %c0_i32, %c0_i32_2 : i32, i32, i32
  }
}

</mosaic_0001>

<sc_bundles>
// kernel: kernel.4.cloned.1.call-start
scs
__scs_entry_jumppad:
0x0: {  	(pc) =	sbr.rel $0x88, $3  }
0x1: {  	(tag) =	ssettag $0x0;
	lr =	simm.s32 $0x1  }
0x2: {  	[smem:$0x3F96] =	sst lr;
	_ =	strace $0xD0000000  }
0x3: {  	_ = 	snop  }
0x4: {  	_ = 	snop  }
0x5: {  	_ = 	snop  }
0x6: {  	_ = 	snop  }
0x7: {  	_ = 	snop  }
__scs_overlays_trampoline_lowered:
0x8: {  	[smem:$0x3FA5] =	sst s0  }
0x9: {  	[smem:$0x3FA6] =	sst s1  }
0xa: {  	[smem:$0x3FA7] =	sst s2  }
0xb: {  	[smem:$0x3FA8] =	sst s3  }
0xc: {  	[smem:$0x3FA9] =	sst s4  }
0xd: {  	[smem:$0x3FAA] =	sst s5  }
0xe: {  	[smem:$0x3FAB] =	sst s6  }
0xf: {  	[smem:$0x3FAC] =	sst s7  }
0x10: {  	[smem:$0x3FAD] =	sst s8  }
0x11: {  	[smem:$0x3FAE] =	sst s9;
	s0 =	simm.s32 @!p0 $0x0  }
0x12: {  	s1 =	sld [smem:$0x3F94];
	s0 =	simm.s32 @p0 $0x1  }
0x13: {  	[smem:$0x3FAF] =	sst s0;
	s0 =	simm.s32 @!p1 $0x0  }
0x14: {  	s2 =	sld [smem:$0x3F93];
	s0 =	simm.s32 @p1 $0x1  }
0x15: {  	[smem:$0x3FB0] =	sst s0;
	s0 =	simm.s32 @!p2 $0x0  }
0x16: {  	s3 =	sld [smem:$0x3FDB];
	s0 =	simm.s32 @p2 $0x1  }
0x17: {  	s4 =	simm.s32 $0x1BF5;
	[smem:$0x3FB2] =	sst s0  }
0x18: {  	s0 =	sld [smem:$0x3F95];
	_ =	swait.ge [sflag:s4], $0x0  }
0x19: {  	s7 =	sld [smem:$0x3F96]  }
0x1a: {  	s8 =	sadd.s32 $0xFFFFE003, lr  }
0x1b: {  	s9 =	sadd.s32 $0xFFFFFEF7, lr;
	s5 =	simm.s32 $0xFFFFFFFF;
	p2 =	slt.u32 s8, $0xFFFFF086  }
0x1c: {  	p1 =	slt.u32 s9, $0xF7A;
	s5 =	simm.s32 @!p2 $0x0  }
0x1d: {  	s5 =	simm.s32 @p1 $0x1;
	p0 =	seq.s32 s7, s2  }
0x1e: {  	s7 =	smul.u32 @!p0 $0xF7A, s2;
	p2 =	seq.s32 @!p0 s5, $0x0  }
0x1f: {  	s9 =	smul.u32 $0xF7A, s1;
	s8 =	simm.s32 @!p0 $0x1BF5;
	p2 =	por !p2, p0  }
0x20: {  	[sflag:s8] =	ssyncset.s32 @!p0 $0xFFFFF086;
	s6 =	sadd.s32 @!p0 s3, s7;
	s7 =	simm.s32 @!p0 $0x108  }
0x21: {  	s3 =	sadd.s32 s3, s9;
	s6 =	sadd.s32 @!p0 $0x88, s6;
	s7 =	simm.s32 @p2 $0x1082  }
0x22: {  	[simem:s7], [sflag:s8] =	dma.local @!p0 [hbm:s6], $0xF7A  }
0x23: {  	s9 =	sor.u32 $0xD0000000, s2;
	s6 =	simm.s32 $0x108;
	_ =	swait.ge @!p0 [sflag:s8], $0x0  }
0x24: {  	s3 =	sadd.s32 $0x88, s3;
	s6 =	simm.s32 @!p1 $0x1082;
	[sflag:s4] =	ssyncset.s32 $0xFFFFF086  }
0x25: {  	[simem:s6], [sflag:s4] =	dma.local [hbm:s3], $0xF7A  }
0x26: {  	[smem:$0x3F96] =	sst s1;
	(tag) =	ssettag s2;
	_ =	strace s9  }
0x27: {  	s1 =	sld [smem:$0x3FA6]  }
0x28: {  	s2 =	sld [smem:$0x3FA7]  }
0x29: {  	s4 =	sld [smem:$0x3FA9]  }
0x2a: {  	p0 =	seq.s32 s5, $0x0;
	s5 =	sld [smem:$0x3FAA]  }
0x2b: {  	s6 =	sld [smem:$0x3FAB]  }
0x2c: {  	s7 =	sld [smem:$0x3FAC]  }
0x2d: {  	s3 =	simm.s32 $0x108;
	s8 =	sld [smem:$0x3FAD]  }
0x2e: {  	s3 =	simm.s32 @!p0 $0x1082;
	s9 =	sld [smem:$0x3FAE]  }
0x2f: {  	lr =	sadd.s32 s0, s3;
	s0 =	sld [smem:$0x3FA5]  }
0x30: {  	s3 =	sld [smem:$0x3FA8]  }
0x31: {  	[smem:$0x3FB1] =	sst s10  }
0x32: {  	s10 =	sld [smem:$0x3FAF];
	_ =	sdelay $0x3  }
0x33: {  	p0 =	seq.s32 s10, $0x1;
	s10 =	sld [smem:$0x3FB1];
	_ =	sdelay $0x3  }
0x34: {  	[smem:$0x3FB1] =	sst s10  }
0x35: {  	s10 =	sld [smem:$0x3FB0];
	_ =	sdelay $0x3  }
0x36: {  	p1 =	seq.s32 s10, $0x1;
	s10 =	sld [smem:$0x3FB1];
	_ =	sdelay $0x3  }
0x37: {  	[smem:$0x3FB1] =	sst s10  }
0x38: {  	s10 =	sld [smem:$0x3FB2]  }
0x39: {  	_ = 	snop;
	(pc) =	sbr.ind lr, $3  }
0x3a: {  	_ = 	snop  }
0x3b: {  	_ = 	snop  }
0x3c: {  	p2 =	seq.s32 s10, $0x1;
	s10 =	sld [smem:$0x3FB1]  }
0x3d: {  	_ =	shalt  }
0x3e: {  	_ =	shalt  }
0x3f: {  	_ =	shalt  }
0x40: {  	_ =	shalt  }
0x41: {  	_ =	shalt  }
0x42: {  	_ =	shalt  }
0x43: {  	_ =	shalt  }
0x44: {  	_ =	shalt  }
0x45: {  	_ =	shalt  }
0x46: {  	_ =	shalt  }
0x47: {  	_ =	shalt  }
0x48: {  	_ =	shalt  }
0x49: {  	_ =	shalt  }
0x4a: {  	_ =	shalt  }
0x4b: {  	_ =	shalt  }
0x4c: {  	_ =	shalt  }
0x4d: {  	_ =	shalt  }
0x4e: {  	_ =	shalt  }
0x4f: {  	_ =	shalt  }
0x50: {  	_ =	shalt  }
0x51: {  	_ =	shalt  }
0x52: {  	_ =	shalt  }
0x53: {  	_ =	shalt  }
0x54: {  	_ =	shalt  }
0x55: {  	_ =	shalt  }
0x56: {  	_ =	shalt  }
0x57: {  	_ =	shalt  }
0x58: {  	_ =	shalt  }
0x59: {  	_ =	shalt  }
0x5a: {  	_ =	shalt  }
0x5b: {  	_ =	shalt  }
0x5c: {  	_ =	shalt  }
0x5d: {  	_ =	shalt  }
0x5e: {  	_ =	shalt  }
0x5f: {  	_ =	shalt  }
0x60: {  	_ =	shalt  }
0x61: {  	_ =	shalt  }
0x62: {  	_ =	shalt  }
0x63: {  	_ =	shalt  }
0x64: {  	_ =	shalt  }
0x65: {  	_ =	shalt  }
0x66: {  	_ =	shalt  }
0x67: {  	_ =	shalt  }
0x68: {  	_ =	shalt  }
0x69: {  	_ =	shalt  }
0x6a: {  	_ =	shalt  }
0x6b: {  	_ =	shalt  }
0x6c: {  	_ =	shalt  }
0x6d: {  	_ =	shalt  }
0x6e: {  	_ =	shalt  }
0x6f: {  	_ =	shalt  }
0x70: {  	_ =	shalt  }
0x71: {  	_ =	shalt  }
0x72: {  	_ =	shalt  }
0x73: {  	_ =	shalt  }
0x74: {  	_ =	shalt  }
0x75: {  	_ =	shalt  }
0x76: {  	_ =	shalt  }
0x77: {  	_ =	shalt  }
0x78: {  	_ =	shalt  }
0x79: {  	_ =	shalt  }
0x7a: {  	_ =	shalt  }
0x7b: {  	_ =	shalt  }
0x7c: {  	_ =	shalt  }
0x7d: {  	_ =	shalt  }
0x7e: {  	_ =	shalt  }
0x7f: {  	_ =	shalt  }
0x80: {  	_ =	shalt  }
0x81: {  	_ =	shalt  }
0x82: {  	_ =	shalt  }
0x83: {  	_ =	shalt  }
0x84: {  	_ =	shalt  }
0x85: {  	_ =	shalt  }
0x86: {  	_ =	shalt  }
0x87: {  	_ =	shalt  }
.Lfunc_end0:
.L_simem_size_0:
called_computation.1_lowered:
.L_overlay_start_0:
0x88: {  	s2 =	sld [smem:$0x3FD9]  }
0x89: {  	s3 =	sld [smem:$0x3FFE];
	_ =	sdelay $0x1  }
0x8a: {  	s1 =	srdreg.scid  }
0x8b: {  	s0 =	sand.u32 $0x1, s1  }
0x8c: {  	s17 =	sshll.u32 s0, $0xA;
	s2 =	sadd.s32 s3, s2  }
0x8d: {  	s2 =	sadd.s32 s2, s17  }
0x8e: {  	[smem:$0x3FBD] =	sst s2  }
0x8f: {  	_ = 	snop  }
0x90: {  	s2 =	sld [smem:$0x3FD0];
	(tm) =	ssettm $0x1  }
0x91: {  	s18 =	sld [smem:$0x3FFB];
	_ =	sdelay $0x3  }
0x92: {  	_ =	strace s18  }
0x93: {  	s3 =	sld [smem:$0x3FFC];
	_ =	sdelay $0x3  }
0x94: {  	_ =	strace s3  }
0x95: {  	s3 =	sld [smem:$0x3FFD];
	_ =	sdelay $0x3  }
0x96: {  	_ =	strace s3  }
0x97: {  	_ =	strace $0x8FFFFFFF  }
0x98: {  	s19 =	sld [smem:$0x3FDB];
	_ =	sdelay $0x1  }
0x99: {  	s4 =	simm.s32 $_scs_section_size  }
0x9a: {  	s5 =	simm.s32 $_size__tile_overlayer_lowered;
	s6 =	simm.s32 $_tile_overlayer_lowered  }
0x9b: {  	s22 =	simm.s32 $0x1BFF;
	s21 =	sshll.u32 s6, $0x1;
	s3 =	sadd.s32 s4, s19  }
0x9c: {  	s7 =	simm.s32 $0x0;
	s20 =	sshll.u32 s5, $0x1;
	s5 =	sadd.s32 s21, s3  }
0x9d: {  	[timem:s7], [sflag:s22] =	dma.local [hbm:s5], s20  }
0x9e: {  	_ =	swait.ge [sflag:s22], s20  }
0x9f: {  	s4 =	ssub.s32 $0x0, s20;
	[sflag:s22] =	ssyncset.done $0x0  }
0xa0: {  	[sflag:s22] =	ssyncadd.s32 s4;
	_ =	sdelay $0x1  }
0xa1: {  	s23 =	simm.s32 $0x1B8B  }
0xa2: {  	_ =	swait.ge [sflag:s23], $0x1  }
0xa3: {  	[sflag:s23] =	ssyncset.done $0x0  }
0xa4: {  	s25 =	simm.s32 $0x1B8E;
	s24 =	sld [smem:$0x3FFE];
	[sflag:s23] =	ssyncadd.s32 $0xFFFFFFFF  }
0xa5: {  	s26 =	simm.s32 $execute0_lowered;
	[smem:$0x3FD2] =	sst s25  }
0xa6: {  	s5 =	sshll.u32 s26, $0x1;
	_ =	strace $0x80000046;
	[dreg:$0x1] =	wrdreg $0xFFFFFFFF  }
0xa7: {  	s28 =	simm.s32 $_size_execute0_lowered;
	s3 =	sadd.s32 s3, s5;
	[dreg:$0x0] =	wrdreg $0x0  }
0xa8: {  	s5 =	sshll.u32 s28, $0x1;
	[dreg:$0x2] =	wrdreg s3  }
0xa9: {  	[dreg:$0x3] =	wrdreg s5  }
0xaa: {  	[dreg:$0x4] =	wrdreg $0xC0  }
0xab: {  	_ =	task [dreg:s7], $0x5FFFF  }
0xac: {  	[dreg:$0x1] =	wrdreg $0xFFFFFFFF  }
0xad: {  	[dreg:$0x0] =	wrdreg $0x60  }
0xae: {  	[dreg:$0x2] =	wrdreg s2  }
0xaf: {  	[dreg:$0x3] =	wrdreg s24  }
0xb0: {  	[dreg:$0x4] =	wrdreg $0x9  }
0xb1: {  	_ =	task.clear_ibuf [dreg:s7], $0x5FFFF;
	_ =	strace $0x90000046  }
0xb2: {  	s29 =	simm.s32 $0x9;
	_ =	strace $0x8000004F  }
0xb3: {  	_ =	swait.ge [sflag:s29], $0x1  }
0xb4: {  	[sflag:s29] =	ssyncadd.s32 $0xFFFFFFFF  }
0xb5: {  	_ =	strace $0x9000004F  }
0xb6: {  	_ =	sfence  }
0xb7: {  	s30 =	sld [smem:$0x0];
	_ =	sdelay $0x2  }
0xb8: {  	s31 =	sshll.u32 s1, $0xD;
	s1 =	sshrl.u32 s1, $0x2  }
0xb9: {  	s3 =	sand.u32 $0x4000, s31;
	s1 =	sadd.s32 s1, s30  }
0xba: {  	s0 =	sor.u32 s3, s0;
	s1 =	sshll.u32 s1, $0x11  }
0xbb: {  	s0 =	sor.u32 s1, s0  }
0xbc: {  	s0 =	sadd.s32 $0x8F2B, s0  }
0xbd: {  	[sflag:s0] =	ssyncadd.remote.s32 $0x1  }
0xbe: {  	_ =	sfence.sel $0xFFFF  }
0xbf: {  	[dreg:$0x0] =	wrdreg $0xFFFFFFFF;
	(pc) =	sbr.abs _section_cstart, $3  }
0xc0: {  	[dreg:$0x1] =	wrdreg $0xFFFFFFFF  }
0xc1: {  	_ =	task.clear_ibuf [dreg:s7], $0x2FFFF;
	_ =	strace $0x9FFFFFFF  }
0xc2: {  	(tm) =	ssettm $0x7FFFFFFF  }
0xc3: {  	_ =	shalt  }
tec
execute0_lowered:
.L_overlay_start_1:
0x0: {  	(tag) =	ssettag $0x1  }
0x1: {  	s0 =	srdreg.scid;
	s2 =	rddreg [dreg:$0x0]  }
0x2: {  	s5 =	rddreg [dreg:$0x1];
	s6 =	sand.u32 $0x1, s0  }
0x3: {  	s1 =	stileid.u32;
	s3 =	simm.s32 $0x0;
	s4 =	sshll.u32 s6, $0x4  }
0x4: {  	s10 =	simm.s32 $0x5;
	s0 =	rddreg [dreg:$0x2];
	s4 =	sor.u32 s1, s4  }
0x5: {  	s11 =	simm.s32 $0x0;
	[smem:$0x7FF] =	sst s3;
	s7 =	smul.u32 $0x6, s4  }
0x6: {  	s9 =	sadd.s32 $0x2C00, s5;
	s5 =	sadd.s32 $0x1E00, s5;
	s8 =	smul.u32 $0x7, s4  }
0x7: {  	_ =	strace $0x80000047;
	p0 =	slt.u32 s4, $0x4;
	s4 =	sadd.s32 $0x4, s7  }
0x8: {  	[dreg:$0x3] =	wrdreg s9;
	s30 =	ssub.s32 $0x2, s6;
	s4 =	smov.u32 @p0 s8  }
0x9: {  	v2 =	vlaneseq.u32;
	s6 =	simm.s32 $0x7;
	s31 =	sshrl.u32 s30, $0x1;
	s8 =	sshll.u32 s4, $0x4  }
0xa: {  	vm0 =	vmmov $0xffff;
	v1 =	vshrl.u32 v2, $0x3;
	s9 =	ssub.s32 s30, s31;
	s6 =	simm.s32 @!p0 $0x6;
	s8 =	sand.u32 $0x1FFFFFF0, s8  }
0xb: {  	v0 =	vand.u32 $0x7, v2;
	v2 =	vor.u32 $0x8, v2;
	v1 =	vmul.u32 $0x8, v1;
	s9 =	smax.u32 s9, $0x1;
	s7 =	sadd.s32 s5, s8;
	s8 =	sadd.s32 $0xFFFFFFFF, s6  }
.LBB2_1:
0xc: {  	_ =	strace $0x80000048;
	s13 =	simm.s32 $0x0  }
0xd: {  	s12 =	simm.s32 $0x0;
	s14 =	simm.s32 $0x0;
	s15 =	simm.s32 $0x0  }
0xe: {  	[tilespmem:s3], [sflag:$0x1] =	stream.linear.gather [hbm4b:s7+s3], $0x80, $0x200038;
	[tilespmem:$0x10100] =	vst v63  }
0xf: {  	s16 =	simm.s32 $0x1;
	s17 =	simm.s32 $0x0;
	_ =	strace $0x90000048  }
.LBB2_2:
0x10: {  	s18 =	smov.u32 s13;
	s13 =	sadd.s32 $0x1, s13  }
0x11: {  	p0 =	seq.s32 s13, s6  }
0x12: {  	s13 =	simm.s32 @p0 $0x0  }
0x13: {  	p6 =	slt.u32 s17, s8;
	p1 =	sne.s32 s18, s13  }
0x14: {  	p0 =	por !p6, !p1  }
0x15: {  	p0 =	por !p0, !p0  }
0x16: {  	s19 =	sadd.s32 @p0 s4, s13  }
0x17: {  	s20 =	sand.u32 @p0 $0x1, s16;
	s19 =	sshll.u32 @p0 s19, $0x4  }
0x18: {  	_ =	strace @p0 $0x80000049;
	s22 =	simm.s32 @p0 $0x0;
	s19 =	sand.u32 @p0 $0x1FFFFFF0, s19  }
0x19: {  	s21 =	sshll.u32 @p0 s20, $0x7;
	s20 =	sadd.s32 @p0 $0x1, s20;
	s19 =	sadd.s32 @p0 s5, s19  }
0x1a: {  	[tilespmem:s21], [sflag:s20] =	stream.linear.gather @p0 [hbm4b:s19+s22], $0x80, $0x200038;
	[tilespmem:$0x10100] =	vst v63  }
0x1b: {  	s23 =	sand.u32 $0x1, s15;
	_ =	strace @p0 $0x90000049  }
0x1c: {  	s19 =	sadd.s32 $0x1, s23;
	_ =	strace $0x8000004A  }
0x1d: {  	_ =	swait.ge [sflag:s19], $0x80  }
0x1e: {  	[sflag:s19] =	ssyncset.done $0x0  }
0x1f: {  	[sflag:s19] =	ssyncadd.s32 $0xFFFFFF80  }
0x20: {  	s24 =	sshll.u32 s15, $0x7;
	_ =	strace $0x9000004A  }
0x21: {  	s22 =	sand.u32 $0x80, s24;
	_ =	strace $0x8000004B  }
0x22: {  	v3 =	vld [tilespmem:s22+$0x0];
	_ =	sdelay $0x4  }
0x23: {  	v4 =	vshll.u32 v3, $0x1  }
0x24: {  	v3 =	vand.u32 $0x7, v3;
	v4 =	vand.u32 $0xFFFFFFF0, v4  }
0x25: {  	v3 =	vor.u32 v3, v4  }
0x26: {  	v4 =	vperm.xlane v3, v0;
	_ =	sdelay $0x1  }
0x27: {  	v3 =	vperm.xlane v3, v2;
	v4 =	vadd.s32 v1, v4;
	_ =	sdelay $0x1  }
0x28: {  	s19 =	sand.u32 $0x1, s14;
	v3 =	vadd.s32 v1, v3  }
0x29: {  	s21 =	sshll.u32 s19, $0xF  }
0x2a: {  	s20 =	sor.u32 $0x100, s21  }
0x2b: {  	[tilespmem:s20], [sflag:$0x5] =	stream.indirect_vreg.gather [hbm4b:s2+s3], $0x80, v4, vm0, $0x2000b8;
	[tilespmem:$0x10100] =	vst v63  }
0x2c: {  	s23 =	sor.u32 $0x900, s21  }
0x2d: {  	[tilespmem:s23], [sflag:$0x5] =	stream.indirect_vreg.gather [hbm4b:s2+s3], $0x80, v3, vm0, $0x2000b8;
	[tilespmem:$0x10100] =	vst v63  }
0x2e: {  	v3 =	vld [tilespmem:s22+$0x10];
	_ =	sdelay $0x4  }
0x2f: {  	v57 =	vshll.u32 v3, $0x1  }
0x30: {  	v3 =	vand.u32 $0x7, v3;
	v4 =	vand.u32 $0xFFFFFFF0, v57  }
0x31: {  	v3 =	vor.u32 v3, v4  }
0x32: {  	v4 =	vperm.xlane v3, v0;
	_ =	sdelay $0x1  }
0x33: {  	v3 =	vperm.xlane v3, v2;
	v4 =	vadd.s32 v1, v4;
	_ =	sdelay $0x1  }
0x34: {  	v3 =	vadd.s32 v1, v3;
	_ =	sdelay $0x1  }
0x35: {  	s25 =	sor.u32 $0x1100, s21  }
0x36: {  	[tilespmem:s25], [sflag:$0x5] =	stream.indirect_vreg.gather [hbm4b:s2+s3], $0x80, v4, vm0, $0x2000b8;
	[tilespmem:$0x10100] =	vst v63  }
0x37: {  	s26 =	sor.u32 $0x1900, s21  }
0x38: {  	[tilespmem:s26], [sflag:$0x5] =	stream.indirect_vreg.gather [hbm4b:s2+s3], $0x80, v3, vm0, $0x2000b8;
	[tilespmem:$0x10100] =	vst v63  }
0x39: {  	v3 =	vld [tilespmem:s22+$0x20];
	_ =	sdelay $0x4  }
0x3a: {  	v58 =	vshll.u32 v3, $0x1  }
0x3b: {  	v3 =	vand.u32 $0x7, v3;
	v4 =	vand.u32 $0xFFFFFFF0, v58  }
0x3c: {  	v3 =	vor.u32 v3, v4  }
0x3d: {  	v4 =	vperm.xlane v3, v0;
	_ =	sdelay $0x1  }
0x3e: {  	v3 =	vperm.xlane v3, v2;
	v4 =	vadd.s32 v1, v4;
	_ =	sdelay $0x1  }
0x3f: {  	v3 =	vadd.s32 v1, v3;
	_ =	sdelay $0x1  }
0x40: {  	s28 =	sor.u32 $0x2100, s21  }
0x41: {  	[tilespmem:s28], [sflag:$0x5] =	stream.indirect_vreg.gather [hbm4b:s2+s3], $0x80, v4, vm0, $0x2000b8;
	[tilespmem:$0x10100] =	vst v63  }
0x42: {  	s29 =	sor.u32 $0x2900, s21  }
0x43: {  	[tilespmem:s29], [sflag:$0x5] =	stream.indirect_vreg.gather [hbm4b:s2+s3], $0x80, v3, vm0, $0x2000b8;
	[tilespmem:$0x10100] =	vst v63  }
0x44: {  	v3 =	vld [tilespmem:s22+$0x30];
	_ =	sdelay $0x4  }
0x45: {  	v59 =	vshll.u32 v3, $0x1  }
0x46: {  	v3 =	vand.u32 $0x7, v3;
	v4 =	vand.u32 $0xFFFFFFF0, v59  }
0x47: {  	v3 =	vor.u32 v3, v4  }
0x48: {  	v4 =	vperm.xlane v3, v0;
	_ =	sdelay $0x1  }
0x49: {  	v3 =	vperm.xlane v3, v2;
	v4 =	vadd.s32 v1, v4;
	_ =	sdelay $0x1  }
0x4a: {  	v3 =	vadd.s32 v1, v3;
	_ =	sdelay $0x1  }
0x4b: {  	s30 =	sor.u32 $0x3100, s21  }
0x4c: {  	[tilespmem:s30], [sflag:$0x5] =	stream.indirect_vreg.gather [hbm4b:s2+s3], $0x80, v4, vm0, $0x2000b8;
	[tilespmem:$0x10100] =	vst v63  }
0x4d: {  	s31 =	sor.u32 $0x3900, s21  }
0x4e: {  	[tilespmem:s31], [sflag:$0x5] =	stream.indirect_vreg.gather [hbm4b:s2+s3], $0x80, v3, vm0, $0x2000b8;
	[tilespmem:$0x10100] =	vst v63  }
0x4f: {  	v3 =	vld [tilespmem:s22+$0x40];
	_ =	sdelay $0x4  }
0x50: {  	v60 =	vshll.u32 v3, $0x1  }
0x51: {  	v3 =	vand.u32 $0x7, v3;
	v4 =	vand.u32 $0xFFFFFFF0, v60  }
0x52: {  	v3 =	vor.u32 v3, v4  }
0x53: {  	v4 =	vperm.xlane v3, v0;
	_ =	sdelay $0x1  }
0x54: {  	v3 =	vperm.xlane v3, v2;
	v4 =	vadd.s32 v1, v4;
	_ =	sdelay $0x1  }
0x55: {  	v3 =	vadd.s32 v1, v3;
	_ =	sdelay $0x1  }
0x56: {  	s24 =	sor.u32 $0x4100, s21  }
0x57: {  	[tilespmem:s24], [sflag:$0x5] =	stream.indirect_vreg.gather [hbm4b:s2+s3], $0x80, v4, vm0, $0x2000b8;
	[tilespmem:$0x10100] =	vst v63  }
0x58: {  	s25 =	sor.u32 $0x4900, s21  }
0x59: {  	[tilespmem:s25], [sflag:$0x5] =	stream.indirect_vreg.gather [hbm4b:s2+s3], $0x80, v3, vm0, $0x2000b8;
	[tilespmem:$0x10100] =	vst v63  }
0x5a: {  	v3 =	vld [tilespmem:s22+$0x50];
	_ =	sdelay $0x4  }
0x5b: {  	v61 =	vshll.u32 v3, $0x1  }
0x5c: {  	v3 =	vand.u32 $0x7, v3;
	v4 =	vand.u32 $0xFFFFFFF0, v61  }
0x5d: {  	v3 =	vor.u32 v3, v4  }
0x5e: {  	v4 =	vperm.xlane v3, v0;
	_ =	sdelay $0x1  }
0x5f: {  	v3 =	vperm.xlane v3, v2;
	v4 =	vadd.s32 v1, v4;
	_ =	sdelay $0x1  }
0x60: {  	v3 =	vadd.s32 v1, v3;
	_ =	sdelay $0x1  }
0x61: {  	s26 =	sor.u32 $0x5100, s21  }
0x62: {  	[tilespmem:s26], [sflag:$0x5] =	stream.indirect_vreg.gather [hbm4b:s2+s3], $0x80, v4, vm0, $0x2000b8;
	[tilespmem:$0x10100] =	vst v63  }
0x63: {  	s28 =	sor.u32 $0x5900, s21  }
0x64: {  	[tilespmem:s28], [sflag:$0x5] =	stream.indirect_vreg.gather [hbm4b:s2+s3], $0x80, v3, vm0, $0x2000b8;
	[tilespmem:$0x10100] =	vst v63  }
0x65: {  	v3 =	vld [tilespmem:s22+$0x60];
	_ =	sdelay $0x4  }
0x66: {  	v62 =	vshll.u32 v3, $0x1  }
0x67: {  	v3 =	vand.u32 $0x7, v3;
	v4 =	vand.u32 $0xFFFFFFF0, v62  }
0x68: {  	v3 =	vor.u32 v3, v4  }
0x69: {  	v4 =	vperm.xlane v3, v0;
	_ =	sdelay $0x1  }
0x6a: {  	v3 =	vperm.xlane v3, v2;
	v4 =	vadd.s32 v1, v4;
	_ =	sdelay $0x1  }
0x6b: {  	v3 =	vadd.s32 v1, v3;
	_ =	sdelay $0x1  }
0x6c: {  	s29 =	sor.u32 $0x6100, s21  }
0x6d: {  	[tilespmem:s29], [sflag:$0x5] =	stream.indirect_vreg.gather [hbm4b:s2+s3], $0x80, v4, vm0, $0x2000b8;
	[tilespmem:$0x10100] =	vst v63  }
0x6e: {  	s30 =	sor.u32 $0x6900, s21  }
0x6f: {  	[tilespmem:s30], [sflag:$0x5] =	stream.indirect_vreg.gather [hbm4b:s2+s3], $0x80, v3, vm0, $0x2000b8;
	[tilespmem:$0x10100] =	vst v63  }
0x70: {  	v3 =	vld [tilespmem:s22+$0x70];
	_ =	sdelay $0x4  }
0x71: {  	v63 =	vshll.u32 v3, $0x1  }
0x72: {  	v3 =	vand.u32 $0x7, v3;
	v4 =	vand.u32 $0xFFFFFFF0, v63  }
0x73: {  	v3 =	vor.u32 v3, v4  }
0x74: {  	v4 =	vperm.xlane v3, v0;
	_ =	sdelay $0x1  }
0x75: {  	v3 =	vperm.xlane v3, v2;
	v4 =	vadd.s32 v1, v4;
	_ =	sdelay $0x1  }
0x76: {  	v3 =	vadd.s32 v1, v3;
	_ =	sdelay $0x1  }
0x77: {  	s31 =	sor.u32 $0x7100, s21  }
0x78: {  	[tilespmem:s31], [sflag:$0x5] =	stream.indirect_vreg.gather [hbm4b:s2+s3], $0x80, v4, vm0, $0x2000b8;
	[tilespmem:$0x10100] =	vst v63  }
0x79: {  	s21 =	sor.u32 $0x7900, s21  }
0x7a: {  	[tilespmem:s21], [sflag:$0x5] =	stream.indirect_vreg.gather [hbm4b:s2+s3], $0x80, v3, vm0, $0x2000b8;
	[tilespmem:$0x10100] =	vst v63  }
0x7b: {  	_ =	swait.ge [sflag:s10], $0x8000  }
0x7c: {  	p2 =	seq.s32 s8, s17;
	[sflag:s10] =	ssyncset.done $0x0  }
0x7d: {  	s18 =	sadd.s32 s4, s18;
	p1 =	por p2, p1;
	[sflag:s10] =	ssyncadd.s32 $0xFFFF8000  }
0x7e: {  	s18 =	sshll.u32 @p1 s18, $0xC;
	_ =	strace $0x9000004B  }
0x7f: {  	s18 =	sand.u32 @p1 $0x1FFFF000, s18;
	s22 =	simm.s32 $0x1;
	_ =	strace @p1 $0x8000004C  }
0x80: {  	s19 =	sadd.s32 @p1 $0x3, s19;
	s22 =	simm.s32 @!p0 $0x0;
	s21 =	rddreg [dreg:$0x3]  }
0x81: {  	p0 =	seq.s32 s17, $0x0;
	s18 =	sadd.s32 @p1 s21, s18;
	s21 =	simm.s32 @p1 $0x0  }
0x82: {  	[hbm4b:s18+s21] =	stream.linear.scatter @p1 [tilespmem:s20], [sflag:s19], $0x8000, $0x200038;
	[tilespmem:$0x10100] =	vst v63  }
0x83: {  	s18 =	simm.s32 $0x1;
	s20 =	simm.s32 $0x1;
	_ =	strace @p1 $0x9000004C  }
0x84: {  	s18 =	simm.s32 @!p1 $0x0;
	p1 =	sne.s32 s17, $0x0;
	s17 =	sadd.s32 $0x1, s17  }
0x85: {  	s19 =	sand.u32 @!p0 $0x1, s12;
	s20 =	simm.s32 @!p1 $0x0;
	p1 =	sne.s32 s6, s17  }
.Ltmp0:
0x86: {  	s19 =	sadd.s32 @!p0 $0x3, s19;
	_ =	strace @!p0 $0x8000004D;
	(pc) =	sbr.rel @p1 .LBB2_2-.Ltmp0, $4  }
0x87: {  	_ =	swait.ge @!p0 [sflag:s19], $0x8000  }
0x88: {  	[sflag:s19] =	ssyncset.done @!p0 $0x0  }
0x89: {  	s16 =	sadd.s32 s22, s16;
	s14 =	sadd.s32 s18, s14;
	[sflag:s19] =	ssyncadd.s32 @!p0 $0xFFFF8000  }
0x8a: {  	s15 =	sadd.s32 s18, s15;
	s12 =	sadd.s32 s20, s12;
	_ =	strace @!p0 $0x9000004D  }
0x8b: {  	s11 =	sadd.s32 $0x1, s11  }
0x8c: {  	s12 =	sand.u32 $0x1, s12;
	p0 =	sne.s32 s11, s9  }
.Ltmp1:
0x8d: {  	_ =	strace $0x8000004E;
	s12 =	sadd.s32 $0x3, s12;
	(pc) =	sbr.rel @p0 .LBB2_1-.Ltmp1, $4  }
0x8e: {  	_ =	swait.ge [sflag:s12], $0x8000  }
0x8f: {  	[sflag:s12] =	ssyncset.done $0x0  }
0x90: {  	[sflag:s12] =	ssyncadd.s32 $0xFFFF8000  }
0x91: {  	_ =	strace $0x9000004E  }
0x92: {  	_ =	sfence.sel $0x180000  }
0x93: {  	[bflag:$0x0] =	sbarrier.arrive $0xFFFF  }
0x94: {  	p0 =	sne.s32 s1, $0x0;
	_ =	strace $0x90000047  }
0x95: {  	s0 =	sadd.s32 @!p0 $0x100000, s0;
	[bflag:$0x2] =	sbarrier.arrive $0xFFFF  }
0x96: {  	[sflag:s0] =	ssyncadd.tile.s32 @!p0 $0x1;
	_ =	shalt  }
.Lfunc_end2:
_tile_overlayer_lowered:
.L_overlay_start_2:
0x97: {  	(tag) =	ssettag $0x2  }
0x98: {  	s0 =	rddreg [dreg:$0x0];
	s2 =	stileid.u32  }
0x99: {  	s1 =	rddreg [dreg:$0x1];
	p0 =	sne.s32 s2, $0x0  }
0x9a: {  	s3 =	rddreg [dreg:$0x2];
	[bflag:$0x3] =	sbarrier.arrive $0xFFFF;
	s2 =	simm.s32 @!p0 $0x1C01  }
0x9b: {  	[timem:s3], [sflag:s2] =	dma.local @!p0 [hbm:s0], s1  }
0x9c: {  	s0 =	simm.s32 @!p0 $0x1  }
0x9d: {  	_ =	swait.ge @!p0 [sflag:s0], s1  }
0x9e: {  	s1 =	ssub.s32 @!p0 $0x0, s1;
	[sflag:s0] =	ssyncset.done @!p0 $0x0  }
0x9f: {  	[sflag:s0] =	ssyncadd.s32 @!p0 s1  }
0xa0: {  	[bflag:$0x3] =	sbarrier.arrive $0xFFFF  }
0xa1: {  	_ =	shalt  }

// kernel: sparse-core-data-format-call.cloned.1.call-start
scs
called_computation_lowered:
.L_overlay_start_0:
0x0: {  	s2 =	sld [smem:$0x3FD9]  }
0x1: {  	s3 =	sld [smem:$0x3FFE];
	_ =	sdelay $0x1  }
0x2: {  	s1 =	srdreg.scid  }
0x3: {  	s0 =	sand.u32 $0x1, s1  }
0x4: {  	s18 =	sshll.u32 s0, $0xA;
	s2 =	sadd.s32 s3, s2  }
0x5: {  	s2 =	sadd.s32 s2, s18  }
0x6: {  	[smem:$0x3FBD] =	sst s2  }
0x7: {  	_ = 	snop  }
0x8: {  	s2 =	sld [smem:$0x3FD0];
	(tm) =	ssettm $0x1  }
0x9: {  	s19 =	sld [smem:$0x3FFB];
	_ =	sdelay $0x3  }
0xa: {  	_ =	strace s19  }
0xb: {  	s3 =	sld [smem:$0x3FFC];
	_ =	sdelay $0x3  }
0xc: {  	_ =	strace s3  }
0xd: {  	s3 =	sld [smem:$0x3FFD];
	_ =	sdelay $0x3  }
0xe: {  	_ =	strace s3  }
0xf: {  	_ =	strace $0x8FFFFFFF  }
0x10: {  	s20 =	sld [smem:$0x3FDB];
	_ =	sdelay $0x1  }
0x11: {  	s4 =	simm.s32 $_scs_section_size  }
0x12: {  	s5 =	simm.s32 $_size__tile_overlayer_lowered;
	s6 =	simm.s32 $_tile_overlayer_lowered  }
0x13: {  	s23 =	simm.s32 $0x1BFF;
	s22 =	sshll.u32 s6, $0x1;
	s3 =	sadd.s32 s4, s20  }
0x14: {  	s7 =	simm.s32 $0x0;
	s21 =	sshll.u32 s5, $0x1;
	s5 =	sadd.s32 s22, s3  }
0x15: {  	[timem:s7], [sflag:s23] =	dma.local [hbm:s5], s21  }
0x16: {  	_ =	swait.ge [sflag:s23], s21  }
0x17: {  	s4 =	ssub.s32 $0x0, s21;
	[sflag:s23] =	ssyncset.done $0x0  }
0x18: {  	[sflag:s23] =	ssyncadd.s32 s4;
	_ =	sdelay $0x1  }
0x19: {  	s24 =	simm.s32 $0x1B8B  }
0x1a: {  	_ =	swait.ge [sflag:s24], $0x1  }
0x1b: {  	[sflag:s24] =	ssyncset.done $0x0  }
0x1c: {  	s26 =	simm.s32 $0x1B8E;
	s25 =	sld [smem:$0x3FFE];
	[sflag:s24] =	ssyncadd.s32 $0xFFFFFFFF  }
0x1d: {  	s27 =	simm.s32 $execute0_lowered;
	[smem:$0x3FD2] =	sst s26  }
0x1e: {  	s5 =	sshll.u32 s27, $0x1;
	_ =	strace $0x80000050;
	[dreg:$0x1] =	wrdreg $0xFFFFFFFF  }
0x1f: {  	s28 =	simm.s32 $_size_execute0_lowered;
	s3 =	sadd.s32 s3, s5;
	[dreg:$0x0] =	wrdreg $0x0  }
0x20: {  	s5 =	sshll.u32 s28, $0x1;
	[dreg:$0x2] =	wrdreg s3  }
0x21: {  	[dreg:$0x3] =	wrdreg s5  }
0x22: {  	[dreg:$0x4] =	wrdreg $0xC0  }
0x23: {  	_ =	task [dreg:s7], $0x5FFFF  }
0x24: {  	[dreg:$0x1] =	wrdreg $0xFFFFFFFF  }
0x25: {  	[dreg:$0x0] =	wrdreg $0x60  }
0x26: {  	[dreg:$0x2] =	wrdreg s25  }
0x27: {  	[dreg:$0x3] =	wrdreg s2  }
0x28: {  	[dreg:$0x4] =	wrdreg $0x9  }
0x29: {  	_ =	task.clear_ibuf [dreg:s7], $0x5FFFF;
	_ =	strace $0x90000050  }
0x2a: {  	s29 =	simm.s32 $0x9;
	_ =	strace $0x80000052  }
0x2b: {  	_ =	swait.ge [sflag:s29], $0x1  }
0x2c: {  	[sflag:s29] =	ssyncadd.s32 $0xFFFFFFFF  }
0x2d: {  	_ =	strace $0x90000052  }
0x2e: {  	_ =	sfence  }
0x2f: {  	s30 =	sld [smem:$0x0];
	_ =	sdelay $0x2  }
0x30: {  	s31 =	sshll.u32 s1, $0xD;
	s1 =	sshrl.u32 s1, $0x2  }
0x31: {  	s3 =	sand.u32 $0x4000, s31;
	s1 =	sadd.s32 s1, s30  }
0x32: {  	s0 =	sor.u32 s3, s0;
	s1 =	sshll.u32 s1, $0x11  }
0x33: {  	s0 =	sor.u32 s1, s0  }
0x34: {  	s0 =	sadd.s32 $0x8F2B, s0  }
0x35: {  	[sflag:s0] =	ssyncadd.remote.s32 $0x1  }
0x36: {  	_ =	sfence.sel $0xFFFF  }
0x37: {  	[dreg:$0x0] =	wrdreg $0xFFFFFFFF;
	(pc) =	sbr.abs _section_cstart, $3  }
0x38: {  	[dreg:$0x1] =	wrdreg $0xFFFFFFFF  }
0x39: {  	_ =	task.clear_ibuf [dreg:s7], $0x2FFFF;
	_ =	strace $0x9FFFFFFF  }
0x3a: {  	(tm) =	ssettm $0x7FFFFFFF  }
0x3b: {  	_ =	shalt  }
tec
execute0_lowered:
.L_overlay_start_1:
0x0: {  	(tag) =	ssettag $0x1  }
0x1: {  	s5 =	rddreg [dreg:$0x0]  }
0x2: {  	s0 =	srdreg.scid;
	s2 =	rddreg [dreg:$0x1]  }
0x3: {  	s1 =	stileid.u32;
	s31 =	simm.s32 $0x2;
	s15 =	simm.s32 $0x0  }
0x4: {  	p0 =	por $0x0, $0x0;
	s17 =	simm.s32 $0x0;
	s12 =	simm.s32 $0x0  }
0x5: {  	s18 =	simm.s32 $0x0;
	s13 =	simm.s32 $0x0;
	s16 =	simm.s32 $0x0  }
0x6: {  	s3 =	sshll.u32 s0, $0x4;
	s0 =	rddreg [dreg:$0x2];
	s4 =	sshll.u32 s1, $0x6  }
0x7: {  	_ =	strace $0x80000051;
	s3 =	sand.u32 $0x10, s3;
	s4 =	sand.u32 $0x80, s4  }
0x8: {  	s6 =	sshll.u32 s1, $0xD;
	s3 =	sor.u32 s1, s3;
	s9 =	ssub.s32 $0x100, s4  }
0x9: {  	s7 =	sshll.u32 s3, $0x5;
	s3 =	sand.u32 $0x1, s1;
	s11 =	sshrl.u32 s9, $0x7  }
0xa: {  	s9 =	sshrl.u32 s9, $0x8;
	s8 =	ssub.s32 $0x32, s3;
	s6 =	sor.u32 s6, s7  }
0xb: {  	s11 =	sand.u32 $0x1, s11;
	s7 =	sand.u32 $0x380, s7;
	s14 =	smov.u32 s3  }
.Ltmp0:
0xc: {  	s10 =	sshrl.u32 s8, $0x1;
	s8 =	sand.u32 $0x1, s8;
	(pc) =	sbr.rel .LBB1_1-.Ltmp0, $4  }
0xd: {  	s6 =	sand.u32 $0x4380, s6;
	s9 =	sadd.s32 s9, s11;
	s8 =	sadd.s32 s8, s10  }
0xe: {  	s30 =	sadd.s32 s6, s5;
	s5 =	simm.s32 $0x1;
	s6 =	smul.u32 s8, s9  }
0xf: {  	s11 =	simm.s32 $0x800;
	s10 =	simm.s32 $0x400;
	[sflag:s5] =	ssyncpa.u1 $0x0  }
0x10: {  	s8 =	sadd.s32 $0x1E00, s30;
	[sflag:s31] =	ssyncpa.u1 $0x0;
	s9 =	sadd.s32 $0x1, s6  }
.LBB1_4:
0x11: {  	v5 =	vld [tilespmem:s20+$0xFFFFFFD0];
	[tilespmem:s22+$0x2040 ss:$0x81] =	vst.msk $0xffff, v2  }
0x12: {  	v58 =	vld [tilespmem:s20+$0xFFFFFFE0];
	[tilespmem:s22+$0x2850 ss:$0x81] =	vst.msk $0xffff, v3  }
0x13: {  	s23 =	sshra.s32 s23, $0x2;
	v59 =	vld [tilespmem:s20+$0xFFFFFFF0];
	[tilespmem:s22+$0x3060 ss:$0x81] =	vst.msk $0xffff, v4;
	p1 =	sgt.s32 s13, $0x31  }
0x14: {  	v60 =	vld [tilespmem:s20+$0x0];
	[tilespmem:s22+$0x0 ss:$0x81] =	vst.msk $0xffff, v0;
	s22 =	smov.u32 s13;
	s27 =	sshra.s32 s13, $0x1F;
	s21 =	sadd.s32 s23, s21  }
0x15: {  	v61 =	vld [tilespmem:s20+$0x10];
	s22 =	simm.s32 @!p1 $0x31;
	s23 =	sand.u32 s27, s13;
	[tilespmem:s21+$0x3870 ss:$0x81] =	vst.msk $0xffff, v1  }
0x16: {  	v62 =	vld [tilespmem:s20+$0x20];
	p1 =	sgt.s32 s12, $0x368;
	s22 =	ssub.s32 s22, s23;
	s23 =	smov.u32 s12;
	[tilespmem:s21+$0x810 ss:$0x81] =	vst.msk $0xffff, v5  }
0x17: {  	v63 =	vld [tilespmem:s20+$0xFFFFFFC0];
	s28 =	sadd.s32 $0xFFFFFFCF, s22;
	s23 =	simm.s32 @!p1 $0x368;
	[tilespmem:s21+$0x1020 ss:$0x81] =	vst.msk $0xffff, v58  }
0x18: {  	s20 =	ssub.s32 $0x32, s22;
	p1 =	sgt.s32 s28, $0x0;
	s29 =	sshll.u32 s23, $0x7;
	[tilespmem:s21+$0x1830 ss:$0x81] =	vst.msk $0xffff, v59  }
0x19: {  	s30 =	smul.u32 $0x7D00, s13;
	[tilespmem:s21+$0x2040 ss:$0x81] =	vst.msk $0xffff, v60;
	s20 =	simm.s32 @p1 $0x0;
	s22 =	ssub.s32 $0x1F400, s29  }
0x1a: {  	s18 =	sadd.s32 s2, s18;
	[tilespmem:s21+$0x2850 ss:$0x81] =	vst.msk $0xffff, v61;
	s20 =	smul.u32 s20, s22  }
0x1b: {  	s31 =	sshll.u32 s12, $0x5;
	s18 =	sadd.s32 s30, s18;
	[tilespmem:s21+$0x3060 ss:$0x81] =	vst.msk $0xffff, v62  }
0x1c: {  	s18 =	sadd.s32 s31, s18;
	[tilespmem:s21+$0x0 ss:$0x81] =	vst.msk $0xffff, v63;
	s20 =	sand.u32 $0x3FFFFF80, s20  }
0x1d: {  	[hbm4b:s18+s10] =	stream.strided.scatter [tilespmem:s19], [sflag:$0x2], s20, s11, s10, $0x20;
	[tilespmem:$0x10100] =	vst v63  }
.LBB1_5:
0x1e: {  	p1 =	slt.u32 s16, $0x2  }
0x1f: {  	p2 =	sgt.s32 @!p1 s17, $0x31  }
0x20: {  	s18 =	smov.u32 s17;
	s19 =	sshra.s32 @!p1 s17, $0x1F;
	p2 =	por !p2, p1  }
0x21: {  	s17 =	sand.u32 @!p1 s19, s17;
	s18 =	simm.s32 @p2 $0x31  }
0x22: {  	p2 =	sgt.s32 @!p1 s15, $0x368;
	s17 =	ssub.s32 @!p1 s18, s17  }
0x23: {  	s21 =	sadd.s32 $0x1, s16;
	p2 =	por !p2, p1;
	s18 =	sadd.s32 @!p1 $0xFFFFFFCF, s17  }
0x24: {  	s19 =	sadd.s32 $0x2, s14;
	s15 =	simm.s32 @p2 $0x368;
	p2 =	sgt.s32 @!p1 s18, $0x0  }
0x25: {  	s17 =	ssub.s32 @!p1 $0x32, s17;
	s15 =	sshll.u32 @!p1 s15, $0x7;
	p2 =	por !p2, p1  }
0x26: {  	s15 =	ssub.s32 @!p1 $0x1F400, s15;
	s17 =	simm.s32 @!p2 $0x0;
	p2 =	sgt.s32 s19, $0x31  }
0x27: {  	s15 =	smul.u32 @!p1 s17, s15;
	s19 =	smov.u32 @p2 s3;
	p2 =	sne.s32 s16, s9  }
.Ltmp1:
0x28: {  	p0 =	por !p0, !p0;
	s18 =	simm.s32 @!p1 $0x2;
	(pc) =	sbr.rel @!p2 .LBB1_6-.Ltmp1, $4  }
0x29: {  	s17 =	smov.u32 s13;
	s13 =	smov.u32 s14;
	s15 =	sand.u32 @!p1 $0x3FFFFF80, s15  }
0x2a: {  	s16 =	smov.u32 s21;
	s14 =	smov.u32 s19;
	_ =	swait.ge @!p1 [sflag:s18], s15  }
0x2b: {  	s20 =	ssub.s32 @!p1 $0x0, s15;
	s15 =	smov.u32 s12;
	[sflag:s18] =	ssyncset.done @!p1 $0x0  }
0x2c: {  	s12 =	smov.u32 s7;
	[sflag:s18] =	ssyncadd.s32 @!p1 s20;
	s18 =	smov.u32 s4  }
.LBB1_1:
0x2d: {  	p1 =	sge.u32 s16, s6  }
0x2e: {  	s31 =	sadd.s32 $0xFFFFFFFF, s16;
	s19 =	sxor.u32 @!p1 $0xFFFFFFFF, s16  }
0x2f: {  	s20 =	sshll.u32 @!p1 s14, $0xF;
	s21 =	simm.s32 @!p1 $0x400;
	s19 =	sshll.u32 @!p1 s19, $0xE  }
0x30: {  	s22 =	simm.s32 @!p1 $0x2000;
	s20 =	sadd.s32 @!p1 s20, s8;
	s19 =	sand.u32 @!p1 $0x4000, s19  }
0x31: {  	[tilespmem:s19], [sflag:$0x1] =	stream.strided.gather @!p1 [hbm4b:s20+s21], $0x4000, s22, s21, $0x38;
	[tilespmem:$0x10100] =	vst v63  }
0x32: {  	p1 =	sge.u32 s31, s6  }
.Ltmp2:
0x33: {  	_ = 	snop;
	(pc) =	sbr.rel @p1 .LBB1_5-.Ltmp2, $1  }
0x34: {  	_ =	sdelay $0x3  }
0x35: {  	s19 =	simm.s32 $0x1  }
0x36: {  	_ =	swait.ge [sflag:s5], $0x4000;
	s19 =	simm.s32 @!p0 $0x0  }
0x37: {  	[sflag:s5] =	ssyncset.done $0x0;
	s20 =	sshll.u32 s19, $0xE  }
0x38: {  	[sflag:s5] =	ssyncadd.s32 $0xFFFFC000;
	s20 =	sor.u32 $0x40, s20  }
0x39: {  	s19 =	smul.u32 $0x10200, s19;
	v0 =	vld [tilespmem:s20+$0x30]  }
0x3a: {  	v1 =	vld [tilespmem:s20+$0xFFFFFFD0]  }
0x3b: {  	s19 =	sshrl.u32 s19, $0x2;
	v5 =	vld [tilespmem:s20+$0xFFFFFFE0]  }
0x3c: {  	v6 =	vld [tilespmem:s20+$0xFFFFFFF0];
	s21 =	sor.u32 $0x8000, s19  }
0x3d: {  	s31 =	sand.u32 $0x1, s16;
	v2 =	vld [tilespmem:s20+$0x0];
	s22 =	sadd.s32 $0x0, s21  }
0x3e: {  	v3 =	vld [tilespmem:s20+$0x10];
	s19 =	smul.u32 $0x10200, s31;
	[tilespmem:s22+$0x3870 ss:$0x81] =	vst.msk $0xffff, v0  }
0x3f: {  	v4 =	vld [tilespmem:s20+$0x20];
	[tilespmem:s22+$0x810 ss:$0x81] =	vst.msk $0xffff, v1  }
0x40: {  	s19 =	sshrl.u32 s19, $0x2;
	v0 =	vld [tilespmem:s20+$0xFFFFFFC0];
	[tilespmem:s22+$0x1020 ss:$0x81] =	vst.msk $0xffff, v5;
	s20 =	sadd.s32 $0x80, s20  }
0x41: {  	s23 =	simm.s32 $0x4;
	s24 =	simm.s32 $0x8;
	s19 =	sor.u32 $0x8000, s19;
	[tilespmem:s22+$0x1830 ss:$0x81] =	vst.msk $0xffff, v6;
	v1 =	vld [tilespmem:s20+$0x30]  }
.LBB1_3:
0x42: {  	p1 =	sne.s32 s24, $0x1FC;
	v5 =	vld [tilespmem:s20+$0xFFFFFFD0];
	[tilespmem:s22+$0x2040 ss:$0x81] =	vst.msk $0xffff, v2  }
0x43: {  	v6 =	vld [tilespmem:s20+$0xFFFFFFE0];
	[tilespmem:s22+$0x2850 ss:$0x81] =	vst.msk $0xffff, v3  }
0x44: {  	s25 =	sshra.s32 s23, $0x2;
	s23 =	smov.u32 s24;
	v7 =	vld [tilespmem:s20+$0xFFFFFFF0];
	[tilespmem:s22+$0x3060 ss:$0x81] =	vst.msk $0xffff, v4  }
.Ltmp3:
0x45: {  	v2 =	vld [tilespmem:s20+$0x0];
	[tilespmem:s22+$0x0 ss:$0x81] =	vst.msk $0xffff, v0;
	s22 =	sadd.s32 s25, s21;
	(pc) =	sbr.rel @p1 .LBB1_3-.Ltmp3, $4  }
0x46: {  	v3 =	vld [tilespmem:s20+$0x10];
	[tilespmem:s22+$0x3870 ss:$0x81] =	vst.msk $0xffff, v1  }
0x47: {  	[tilespmem:s22+$0x810 ss:$0x81] =	vst.msk $0xffff, v5;
	v4 =	vld [tilespmem:s20+$0x20]  }
0x48: {  	v0 =	vld [tilespmem:s20+$0xFFFFFFC0];
	[tilespmem:s22+$0x1020 ss:$0x81] =	vst.msk $0xffff, v6;
	s20 =	sadd.s32 $0x80, s20  }
0x49: {  	s24 =	sadd.s32 $0x4, s24;
	v1 =	vld [tilespmem:s20+$0x30];
	[tilespmem:s22+$0x1830 ss:$0x81] =	vst.msk $0xffff, v7  }
.Ltmp4:
0x4a: {  	_ = 	snop;
	(pc) =	sbr.rel .LBB1_4-.Ltmp4, $1  }
0x4b: {  	_ =	sdelay $0x3  }
.LBB1_6:
0x4c: {  	_ =	sfence.sel $0x180000  }
0x4d: {  	s2 =	simm.s32 $0x1;
	[bflag:$0x0] =	sbarrier.arrive $0xFFFF  }
0x4e: {  	s31 =	simm.s32 $0x2;
	[sflag:s2] =	ssyncpa.u1 $0x1  }
0x4f: {  	[sflag:s31] =	ssyncpa.u1 $0x1  }
0x50: {  	p0 =	sne.s32 s1, $0x0;
	_ =	strace $0x90000051  }
0x51: {  	s0 =	sadd.s32 @!p0 $0x100000, s0;
	[bflag:$0x2] =	sbarrier.arrive $0xFFFF  }
0x52: {  	[sflag:s0] =	ssyncadd.tile.s32 @!p0 $0x1;
	_ =	shalt  }
.Lfunc_end1:
_tile_overlayer_lowered:
.L_overlay_start_2:
0x53: {  	(tag) =	ssettag $0x2  }
0x54: {  	s0 =	rddreg [dreg:$0x0];
	s2 =	stileid.u32  }
0x55: {  	s1 =	rddreg [dreg:$0x1];
	p0 =	sne.s32 s2, $0x0  }
0x56: {  	s3 =	rddreg [dreg:$0x2];
	[bflag:$0x3] =	sbarrier.arrive $0xFFFF;
	s2 =	simm.s32 @!p0 $0x1C01  }
0x57: {  	[timem:s3], [sflag:s2] =	dma.local @!p0 [hbm:s0], s1  }
0x58: {  	s0 =	simm.s32 @!p0 $0x1  }
0x59: {  	_ =	swait.ge @!p0 [sflag:s0], s1  }
0x5a: {  	s1 =	ssub.s32 @!p0 $0x0, s1;
	[sflag:s0] =	ssyncset.done @!p0 $0x0  }
0x5b: {  	[sflag:s0] =	ssyncadd.s32 @!p0 s1  }
0x5c: {  	[bflag:$0x3] =	sbarrier.arrive $0xFFFF  }
0x5d: {  	_ =	shalt  }

</sc_bundles>
